<compile_context>
chip_gen: v7x
topology: tpu7x:2x2x1
jax: 0.10.2.dev20260603
libtpu: 0.0.44.dev20260713+nightly
codegen_flags: <defaults>
</compile_context>

<pallas_src>
import jax
import jax.numpy as jnp
from jax.experimental import pallas as pl
from jax.experimental.pallas import tpu as pltpu

_SCORE_THR = 0.05
_IOU_THR = 0.5
_N = 5000
_NPAD = 5120
_BT = 256
_NB = _NPAD // _BT
_CAP = 96


def _nms_kernel(band_lo_ref, band_hi_ref, data_c_ref, data_r_ref, out_ref,
                keep_ref, delta_ref, acc_ref, flag_ref, cache_ref,
                slot_base_ref):
    n = _NPAD

    scores_row = data_r_ref[4:5, :]
    valid = (scores_row >= _SCORE_THR).astype(jnp.float32)
    keep_ref[0:1, :] = valid
    delta_ref[0:1, :] = valid
    acc_ref[0:1, :] = jnp.zeros((1, n), jnp.float32)

    def init_flags(jb, base):
        flag_ref[jb] = 1.0
        slot_base_ref[jb] = base
        cnt = jnp.maximum(band_hi_ref[jb] - band_lo_ref[jb], 0)
        return base + cnt

    jax.lax.fori_loop(0, _NB, init_flags, jnp.int32(0))

    max_coord = jnp.max(data_r_ref[0:4, :])
    off_scale = max_coord + 1.0

    jpos = jax.lax.broadcasted_iota(jnp.int32, (_BT, 1), 0)
    ipos = jax.lax.broadcasted_iota(jnp.int32, (1, _BT), 1)

    def sweep(state):
        _, t = state

        def jb_body(jb, carry):
            @pl.when(flag_ref[jb] != 0.0)
            def _():
                j0 = jb * _BT
                ib_start = band_lo_ref[jb]
                ib_end = band_hi_ref[jb]
                base = slot_base_ref[jb]
                all_cached = (t > 0) & (base + (ib_end - ib_start) <= _CAP)

                dj = delta_ref[0:1, pl.ds(j0, _BT)]
                dj8 = jnp.broadcast_to(dj, (8, _BT))

                def cached_path():
                    def ib_cached(ib, c):
                        i0 = ib * _BT
                        slot = base + (ib - ib_start)
                        sf = cache_ref[pl.ds(slot, 1), :, :][0]
                        contrib = jax.lax.dot(
                            dj8, sf, preferred_element_type=jnp.float32)
                        acc_ref[0:1, pl.ds(i0, _BT)] += contrib[0:1, :]
                        return c

                    jax.lax.fori_loop(ib_start, ib_end, ib_cached, 0)

                def full_path():
                    cj_all = data_c_ref[pl.ds(j0, _BT), :]
                    offj = cj_all[:, 5:6] * off_scale
                    shape = (_BT, _BT)
                    xj1 = jnp.broadcast_to(cj_all[:, 0:1] + offj, shape)
                    yj1 = jnp.broadcast_to(cj_all[:, 1:2] + offj, shape)
                    xj2 = jnp.broadcast_to(cj_all[:, 2:3] + offj, shape)
                    yj2 = jnp.broadcast_to(cj_all[:, 3:4] + offj, shape)
                    aj = (xj2 - xj1 + 1.0) * (yj2 - yj1 + 1.0)

                    def ib_body(ib, c):
                        i0 = ib * _BT
                        slot = base + (ib - ib_start)

                        def compute_sf():
                            offi = data_r_ref[5:6, pl.ds(i0, _BT)] * off_scale
                            xi1 = data_r_ref[0:1, pl.ds(i0, _BT)] + offi
                            yi1 = data_r_ref[1:2, pl.ds(i0, _BT)] + offi
                            xi2 = data_r_ref[2:3, pl.ds(i0, _BT)] + offi
                            yi2 = data_r_ref[3:4, pl.ds(i0, _BT)] + offi
                            ai = (xi2 - xi1 + 1.0) * (yi2 - yi1 + 1.0)

                            xmin = jnp.maximum(xj1, xi1)
                            ymin = jnp.maximum(yj1, yi1)
                            xmax = jnp.minimum(xj2, xi2)
                            ymax = jnp.minimum(yj2, yi2)
                            inter = (jnp.maximum(xmax - xmin, 0.0)
                                     * jnp.maximum(ymax - ymin, 0.0))
                            iou = inter / (aj + ai - inter)
                            off_diag = ib != jb
                            prec = off_diag | (jpos < ipos)
                            return ((iou > _IOU_THR) & prec).astype(jnp.float32)

                        def first_sweep():
                            sf = compute_sf()

                            @pl.when(slot < _CAP)
                            def _():
                                cache_ref[pl.ds(slot, 1), :, :] = sf[None]

                            return sf

                        def later_sweep():
                            return jax.lax.cond(
                                slot < _CAP,
                                lambda: cache_ref[pl.ds(slot, 1), :, :][0],
                                compute_sf)

                        sf = jax.lax.cond(t == 0, first_sweep, later_sweep)

                        contrib = jax.lax.dot(
                            dj8, sf, preferred_element_type=jnp.float32)
                        acc_ref[0:1, pl.ds(i0, _BT)] += contrib[0:1, :]
                        return c

                    jax.lax.fori_loop(ib_start, ib_end, ib_body, 0)

                jax.lax.cond(all_cached, cached_path, full_path)

            return carry

        jax.lax.fori_loop(0, _NB, jb_body, 0)

        old = keep_ref[0:1, :]
        new = valid * (acc_ref[0:1, :] < 0.5).astype(jnp.float32)
        delta = new - old
        keep_ref[0:1, :] = new
        delta_ref[0:1, :] = delta

        def set_flags(jb, c):
            flag_ref[jb] = jnp.max(jnp.abs(delta_ref[0:1, pl.ds(jb * _BT, _BT)]))
            return c

        jax.lax.fori_loop(0, _NB, set_flags, 0)
        changed = jnp.max(jnp.abs(delta)) > 0.0
        return changed, t + 1

    jax.lax.while_loop(lambda s: s[0] & (s[1] < n + 2), sweep,
                       (True, jnp.int32(0)))

    out_ref[0:1, :] = keep_ref[0:1, :]


def _nms_call(band_lo, band_hi, data_c, data_r):
    return pl.pallas_call(
        _nms_kernel,
        out_shape=jax.ShapeDtypeStruct((1, _NPAD), jnp.float32),
        in_specs=[
            pl.BlockSpec(memory_space=pltpu.SMEM),
            pl.BlockSpec(memory_space=pltpu.SMEM),
            pl.BlockSpec(),
            pl.BlockSpec(),
        ],
        scratch_shapes=[
            pltpu.VMEM((8, _NPAD), jnp.float32),
            pltpu.VMEM((8, _NPAD), jnp.float32),
            pltpu.VMEM((8, _NPAD), jnp.float32),
            pltpu.SMEM((_NB,), jnp.float32),
            pltpu.VMEM((_CAP, _BT, _BT), jnp.float32),
            pltpu.SMEM((_NB,), jnp.int32),
        ],
    )(band_lo, band_hi, data_c, data_r)


def _prep(boxes, scores, class_ids):
    perm = jnp.lexsort((-scores, class_ids))
    data = jnp.concatenate(
        [boxes, scores[:, None], class_ids.astype(jnp.float32)[:, None]],
        axis=1)
    datap = data[perm]

    npad = _NPAD - _N
    pad_row = jnp.array([[0.0, 0.0, 0.0, 0.0, -1.0, 81.0]], jnp.float32)
    data_c = jnp.concatenate(
        [datap, jnp.broadcast_to(pad_row, (npad, 6))], axis=0)
    data_r = data_c.T

    ci = data_c[:, 5].astype(jnp.int32).reshape(_NB, _BT)
    tmin = ci.min(axis=1)
    tmax = ci.max(axis=1)
    band_lo = jnp.sum(tmax[None, :] < tmin[:, None], axis=1,
                      dtype=jnp.int32)
    band_lo = jnp.maximum(band_lo, jnp.arange(_NB, dtype=jnp.int32))
    band_hi = _NB - jnp.sum(tmin[None, :] > tmax[:, None], axis=1,
                            dtype=jnp.int32)
    return band_lo, band_hi, data_c, data_r, perm


def kernel(boxes, scores, class_ids):
    band_lo, band_hi, data_c, data_r, perm = _prep(boxes, scores, class_ids)
    out = _nms_call(band_lo, band_hi, data_c, data_r)
    kperm = out[0, :_N]
    k = jnp.zeros((_N,), jnp.float32).at[perm].set(kperm)
    return jnp.concatenate([boxes * k[:, None], (scores * k)[:, None]],
                           axis=1)

# --- scband reference (transcript-rebuilt; emitter-appended) ---
"""Pipeline reference for scband-network-ijcai-54820962566210 (READ-ONLY COPY).

The authoritative reference and input builder live on the scoring server;
editing this copy changes nothing except your own understanding.
"""

import jax, jax.numpy as jnp
import numpy as np

SCORE_THR = 0.05
IOU_THR = 0.5


def _nms_keep(boxes, scores, valid, thr):
    # Faithful port of DetectHead.box_nms: greedy NMS in descending-score order,
    # +1 area convention, suppress when IoU > thr. Returns a fixed-size keep mask.
    n = boxes.shape[0]
    order = jnp.argsort(-scores)
    b = boxes[order]
    x1, y1, x2, y2 = b[:, 0], b[:, 1], b[:, 2], b[:, 3]
    areas = (x2 - x1 + 1.0) * (y2 - y1 + 1.0)
    xmin = jnp.maximum(x1[:, None], x1[None, :])
    ymin = jnp.maximum(y1[:, None], y1[None, :])
    xmax = jnp.minimum(x2[:, None], x2[None, :])
    ymax = jnp.minimum(y2[:, None], y2[None, :])
    inter = jnp.clip(xmax - xmin, 0.0, None) * jnp.clip(ymax - ymin, 0.0, None)
    iou = inter / (areas[:, None] + areas[None, :] - inter)
    idx = jnp.arange(n)

    def body(i, keep):
        row = iou[i]
        suppress = (row > thr) & (idx > i) & keep[i]
        return keep & (~suppress)

    keep_sorted = jax.lax.fori_loop(0, n, body, valid[order])
    keep = jnp.zeros((n,), dtype=bool).at[order].set(keep_sorted)
    return keep


def batched_nms(boxes, scores, idxs, valid, thr):
    # Faithful port of DetectHead.batched_nms: offset boxes by class id so
    # boxes of different classes never overlap, then run plain NMS.
    max_coordinate = boxes.max()
    offsets = idxs.astype(boxes.dtype) * (max_coordinate + 1.0)
    boxes_for_nms = boxes + offsets[:, None]
    return _nms_keep(boxes_for_nms, scores, valid, thr)


def setup_inputs(seed: int = 0) -> dict:
    key = jax.random.key(seed)
    k1, k2, k3, k4 = jax.random.split(key, 4)
    n = 5000
    xy = jax.random.uniform(k1, (n, 2), dtype=jnp.float32) * 512.0
    wh = jax.random.uniform(k2, (n, 2), dtype=jnp.float32) * 100.0 + 1.0
    boxes = jnp.concatenate([xy, xy + wh], axis=1)
    scores = jax.random.uniform(k3, (n,), dtype=jnp.float32)
    class_ids = jax.random.randint(k4, (n,), 0, 80, dtype=jnp.int32)
    return {"boxes": boxes, "scores": scores, "class_ids": class_ids}


def reference(boxes, scores, class_ids):
    # score-threshold mask (DetectHead._post_process) folded into the keep mask
    valid = scores >= SCORE_THR
    keep = batched_nms(boxes, scores, class_ids, valid, IOU_THR)
    keep = jax.lax.stop_gradient(keep)
    keepf = keep.astype(boxes.dtype)
    # fixed-shape output: surviving boxes and scores, suppressed entries zeroed
    out = jnp.concatenate([boxes * keepf[:, None], (scores * keepf)[:, None]], axis=1)
    return out

if __name__ == "__main__":
    import jax
    _d = setup_inputs()
    print(jax.jit(kernel)(*tuple(_d.values())))

</pallas_src>

<mosaic_0001>
module attributes {stable_mosaic.version = 14 : i64} {
  func.func @_nms_kernel(%arg0: memref<20xi32, #tpu.memory_space<smem>>, %arg1: memref<20xi32, #tpu.memory_space<smem>>, %arg2: memref<5120x6xf32, #tpu.memory_space<vmem>>, %arg3: memref<6x5120xf32, #tpu.memory_space<vmem>>, %arg4: memref<1x5120xf32, #tpu.memory_space<vmem>>, %arg5: memref<8x5120xf32, #tpu.memory_space<vmem>>, %arg6: memref<8x5120xf32, #tpu.memory_space<vmem>>, %arg7: memref<8x5120xf32, #tpu.memory_space<vmem>>, %arg8: memref<20xf32, #tpu.memory_space<smem>>, %arg9: memref<96x256x256xf32, #tpu.memory_space<vmem>>, %arg10: memref<20xi32, #tpu.memory_space<smem>>) attributes {dimension_semantics = [], scalar_prefetch = 0 : i64, scratch_operands = 6 : i64, tpu.core_type = #tpu.core_type<tc>} {
    %get3A = arith.constant 4 : index
    %get3A_0 = arith.constant 0 : index
    %get3A_1 = vector.load %arg3[%get3A, %get3A_0] : memref<6x5120xf32, #tpu.memory_space<vmem>>, vector<1x5120xf32>
    %ge3A = arith.constant 5.000000e-02 : f32
    %ge3A_2 = vector.broadcast %ge3A : f32 to vector<1x5120xf32>
    %ge3A_3 = arith.cmpf oge, %get3A_1, %ge3A_2 : vector<1x5120xf32>
    %convert_element_type3A = arith.extui %ge3A_3 : vector<1x5120xi1> to vector<1x5120xi32>
    %convert_element_type3A_4 = arith.sitofp %convert_element_type3A : vector<1x5120xi32> to vector<1x5120xf32>
    %swap3A = arith.constant 0 : index
    %swap3A_5 = arith.constant 0 : index
    %swap3A_6 = vector.load %arg5[%swap3A, %swap3A_5] : memref<8x5120xf32, #tpu.memory_space<vmem>>, vector<1x5120xf32>
    tpu.vector_store %arg5[%swap3A, %swap3A_5], %convert_element_type3A_4 {strides = array<i32>} : memref<8x5120xf32, #tpu.memory_space<vmem>>, vector<1x5120xf32>,
    %swap3A_7 = arith.constant 0 : index
    %swap3A_8 = arith.constant 0 : index
    %swap3A_9 = vector.load %arg6[%swap3A_7, %swap3A_8] : memref<8x5120xf32, #tpu.memory_space<vmem>>, vector<1x5120xf32>
    tpu.vector_store %arg6[%swap3A_7, %swap3A_8], %convert_element_type3A_4 {strides = array<i32>} : memref<8x5120xf32, #tpu.memory_space<vmem>>, vector<1x5120xf32>,
    %broadcast_in_dim3A = arith.constant 0.000000e+00 : f32
    %broadcast_in_dim3A_10 = vector.broadcast %broadcast_in_dim3A : f32 to vector<1x5120xf32>
    %swap3A_11 = arith.constant 0 : index
    %swap3A_12 = arith.constant 0 : index
    %swap3A_13 = vector.load %arg7[%swap3A_11, %swap3A_12] : memref<8x5120xf32, #tpu.memory_space<vmem>>, vector<1x5120xf32>
    tpu.vector_store %arg7[%swap3A_11, %swap3A_12], %broadcast_in_dim3A_10 {strides = array<i32>} : memref<8x5120xf32, #tpu.memory_space<vmem>>, vector<1x5120xf32>,
    %scan3A = arith.constant 0 : i32
    %scan3A_14 = arith.constant 0 : i32
    %scan3A_15 = arith.constant 20 : i32
    %scan3A_16 = arith.addi %scan3A_14, %scan3A_15 : i32
    %scan3A_17 = arith.constant 1 : i32
    %scan3A_18 = scf.for %scan3A_37 = %scan3A_14 to %scan3A_16 step %scan3A_17 iter_args(%scan3A_38 = %scan3A) -> (i32)  : i32 {
      %swap3A_39 = arith.constant 1.000000e+00 : f32
      %swap3A_40 = arith.index_cast %scan3A_37 : i32 to index
      %swap3A_41 = memref.load %arg8[%swap3A_40] : memref<20xf32, #tpu.memory_space<smem>>
      memref.store %swap3A_39, %arg8[%swap3A_40] : memref<20xf32, #tpu.memory_space<smem>>
      %swap3A_42 = arith.index_cast %scan3A_37 : i32 to index
      %swap3A_43 = memref.load %arg10[%swap3A_42] : memref<20xi32, #tpu.memory_space<smem>>
      memref.store %scan3A_38, %arg10[%swap3A_42] : memref<20xi32, #tpu.memory_space<smem>>
      %get3A_44 = arith.index_cast %scan3A_37 : i32 to index
      %get3A_45 = memref.load %arg1[%get3A_44] : memref<20xi32, #tpu.memory_space<smem>>
      %get3A_46 = arith.index_cast %scan3A_37 : i32 to index
      %get3A_47 = memref.load %arg0[%get3A_46] : memref<20xi32, #tpu.memory_space<smem>>
      %sub3A = arith.subi %get3A_45, %get3A_47 : i32
      %max3A = arith.constant 0 : i32
      %max3A_48 = arith.maxsi %sub3A, %max3A : i32
      %add3A_49 = arith.addi %scan3A_38, %max3A_48 : i32
      scf.yield %add3A_49 : i32
    }
    %scan3A_19 = arith.constant 20 : i32
    %get3A_20 = arith.constant 0 : index
    %get3A_21 = arith.constant 0 : index
    %get3A_22 = vector.load %arg3[%get3A_20, %get3A_21] : memref<6x5120xf32, #tpu.memory_space<vmem>>, vector<4x5120xf32>
    %reduce_max3A = vector.shape_cast %get3A_22 : vector<4x5120xf32> to vector<1x4x5120xf32>
    %reduce_max3A_23 = arith.constant dense<0xFF800000> : vector<1xf32>
    %reduce_max3A_24 = vector.multi_reduction <maximumf>, %reduce_max3A, %reduce_max3A_23 [1, 2] : vector<1x4x5120xf32> to vector<1xf32>
    %reduce_max3A_25 = vector.shape_cast %reduce_max3A_24 : vector<1xf32> to vector<1x1x1xf32>
    %reduce_max3A_26 = vector.extract %reduce_max3A_25[0, 0, 0] : f32 from vector<1x1x1xf32>
    %add3A = arith.constant 1.000000e+00 : f32
    %add3A_27 = arith.addf %reduce_max3A_26, %add3A : f32
    %iota3A = tpu.iota {dimensions = array<i32: 0>} : vector<256x1xi32>
    %iota3A_28 = tpu.iota {dimensions = array<i32: 1>} : vector<1x256xi32>
    %while3A = arith.constant true
    %while3A_29 = arith.constant 0 : i32
    %while3A_30:2 = scf.while (%while3A_37 = %while3A, %while3A_38 = %while3A_29) : (i1, i32) -> (i1, i32) {
      %lt3A = arith.constant 5122 : i32
      %lt3A_39 = arith.cmpi slt, %while3A_38, %lt3A : i32
      %and3A = arith.andi %while3A_37, %lt3A_39 : i1
      scf.condition(%and3A) %while3A_37, %while3A_38 : i1, i32
    } do {
    ^bb0(%while3A_37: i1, %while3A_38: i32):
      %scan3A_39 = arith.constant 0 : i32
      %scan3A_40 = arith.constant 0 : i32
      %scan3A_41 = arith.constant 20 : i32
      %scan3A_42 = arith.addi %scan3A_40, %scan3A_41 : i32
      %scan3A_43 = arith.constant 1 : i32
      scf.for %scan3A_75 = %scan3A_40 to %scan3A_42 step %scan3A_43  : i32 {
        %get3A_76 = arith.index_cast %scan3A_75 : i32 to index
        %get3A_77 = memref.load %arg8[%get3A_76] : memref<20xf32, #tpu.memory_space<smem>>
        %ne3A = arith.constant 0.000000e+00 : f32
        %ne3A_78 = arith.cmpf one, %get3A_77, %ne3A : f32
        %convert_element_type3A_79 = arith.extui %ne3A_78 : i1 to i32
        %cond3A = arith.constant 0 : i32
        %cond3A_80 = arith.cmpi ne, %convert_element_type3A_79, %cond3A : i32
        scf.if %cond3A_80 {
          %mul3A_81 = arith.constant 256 : i32
          %mul3A_82 = arith.muli %scan3A_75, %mul3A_81 : i32
          %get3A_83 = arith.index_cast %scan3A_75 : i32 to index
          %get3A_84 = memref.load %arg0[%get3A_83] : memref<20xi32, #tpu.memory_space<smem>>
          %get3A_85 = arith.index_cast %scan3A_75 : i32 to index
          %get3A_86 = memref.load %arg1[%get3A_85] : memref<20xi32, #tpu.memory_space<smem>>
          %get3A_87 = arith.index_cast %scan3A_75 : i32 to index
          %get3A_88 = memref.load %arg10[%get3A_87] : memref<20xi32, #tpu.memory_space<smem>>
          %gt3A_89 = arith.constant 0 : i32
          %gt3A_90 = arith.cmpi sgt, %while3A_38, %gt3A_89 : i32
          %sub3A_91 = arith.subi %get3A_86, %get3A_84 : i32
          %add3A_92 = arith.addi %get3A_88, %sub3A_91 : i32
          %le3A = arith.constant 96 : i32
          %le3A_93 = arith.cmpi sle, %add3A_92, %le3A : i32
          %and3A = arith.andi %gt3A_90, %le3A_93 : i1
          %get3A_94 = arith.constant 0 : index
          %get3A_95 = arith.index_cast %mul3A_82 : i32 to index
          %get3A_96 = vector.load %arg6[%get3A_94, %get3A_95] : memref<8x5120xf32, #tpu.memory_space<vmem>>, vector<1x256xf32>
          %broadcast_in_dim3A_97 = vector.shape_cast %get3A_96 : vector<1x256xf32> to vector<1x256xf32>
          %broadcast_in_dim3A_98 = vector.broadcast %broadcast_in_dim3A_97 : vector<1x256xf32> to vector<8x256xf32>
          %convert_element_type3A_99 = arith.extui %and3A : i1 to i32
          %cond3A_100 = arith.constant 0 : i32
          %cond3A_101 = arith.cmpi ne, %convert_element_type3A_99, %cond3A_100 : i32
          scf.if %cond3A_101 {
            %while3A_102 = arith.constant 0 : i32
            %while3A_103 = arith.subi %get3A_86, %get3A_84 : i32
            %while3A_104 = arith.addi %get3A_84, %while3A_103 : i32
            %while3A_105 = arith.constant 1 : i32
            %while3A_106 = arith.divsi %while3A_103, %while3A_105 : i32
            %while3A_107 = arith.muli %while3A_106, %while3A_105 : i32
            %while3A_108 = arith.addi %get3A_84, %while3A_107 : i32
            %while3A_109 = arith.constant 1 : i32
            scf.for %while3A_111 = %get3A_84 to %while3A_108 step %while3A_109  : i32 {
              %mul3A_112 = arith.constant 256 : i32
              %mul3A_113 = arith.muli %while3A_111, %mul3A_112 : i32
              %sub3A_114 = arith.subi %while3A_111, %get3A_84 : i32
              %add3A_115 = arith.addi %get3A_88, %sub3A_114 : i32
              %get3A_116 = arith.index_cast %add3A_115 : i32 to index
              %get3A_117 = arith.constant 0 : index
              %get3A_118 = arith.constant 0 : index
              %get3A_119 = vector.load %arg9[%get3A_116, %get3A_117, %get3A_118] : memref<96x256x256xf32, #tpu.memory_space<vmem>>, vector<1x256x256xf32>
              %squeeze3A = vector.shape_cast %get3A_119 : vector<1x256x256xf32> to vector<256x256xf32>
              %dot_general3A = arith.constant dense<0.000000e+00> : vector<8x256xf32>
              %dot_general3A_120 = tpu.matmul %broadcast_in_dim3A_98, %squeeze3A, %dot_general3A {dimension_numbers = #tpu.dot_dimension_numbers<[1], [0], [0], [1], [0, 0, 1, 1], [], []>, transpose_lhs_hint = false} : vector<8x256xf32>, vector<256x256xf32>, vector<8x256xf32> -> vector<8x256xf32>
              %get3A_121 = arith.constant 0 : index
              %get3A_122 = arith.index_cast %mul3A_113 : i32 to index
              %get3A_123 = vector.load %arg7[%get3A_121, %get3A_122] : memref<8x5120xf32, #tpu.memory_space<vmem>>, vector<1x256xf32>
              %slice3A = vector.extract_strided_slice %dot_general3A_120 {offsets = [0, 0], sizes = [1, 256], strides = [1, 1]} : vector<8x256xf32> to vector<1x256xf32>
              %add3A_124 = arith.addf %get3A_123, %slice3A : vector<1x256xf32>
              %swap3A_125 = arith.constant 0 : index
              %swap3A_126 = arith.index_cast %mul3A_113 : i32 to index
              %swap3A_127 = vector.load %arg7[%swap3A_125, %swap3A_126] : memref<8x5120xf32, #tpu.memory_space<vmem>>, vector<1x256xf32>
              tpu.vector_store %arg7[%swap3A_125, %swap3A_126], %add3A_124 {strides = array<i32>} : memref<8x5120xf32, #tpu.memory_space<vmem>>, vector<1x256xf32>,
            }
            %while3A_110 = arith.constant 1 : i32
            scf.for %while3A_111 = %while3A_108 to %while3A_104 step %while3A_110  : i32 {
              %mul3A_112 = arith.constant 256 : i32
              %mul3A_113 = arith.muli %while3A_111, %mul3A_112 : i32
              %sub3A_114 = arith.subi %while3A_111, %get3A_84 : i32
              %add3A_115 = arith.addi %get3A_88, %sub3A_114 : i32
              %get3A_116 = arith.index_cast %add3A_115 : i32 to index
              %get3A_117 = arith.constant 0 : index
              %get3A_118 = arith.constant 0 : index
              %get3A_119 = vector.load %arg9[%get3A_116, %get3A_117, %get3A_118] : memref<96x256x256xf32, #tpu.memory_space<vmem>>, vector<1x256x256xf32>
              %squeeze3A = vector.shape_cast %get3A_119 : vector<1x256x256xf32> to vector<256x256xf32>
              %dot_general3A = arith.constant dense<0.000000e+00> : vector<8x256xf32>
              %dot_general3A_120 = tpu.matmul %broadcast_in_dim3A_98, %squeeze3A, %dot_general3A {dimension_numbers = #tpu.dot_dimension_numbers<[1], [0], [0], [1], [0, 0, 1, 1], [], []>, transpose_lhs_hint = false} : vector<8x256xf32>, vector<256x256xf32>, vector<8x256xf32> -> vector<8x256xf32>
              %get3A_121 = arith.constant 0 : index
              %get3A_122 = arith.index_cast %mul3A_113 : i32 to index
              %get3A_123 = vector.load %arg7[%get3A_121, %get3A_122] : memref<8x5120xf32, #tpu.memory_space<vmem>>, vector<1x256xf32>
              %slice3A = vector.extract_strided_slice %dot_general3A_120 {offsets = [0, 0], sizes = [1, 256], strides = [1, 1]} : vector<8x256xf32> to vector<1x256xf32>
              %add3A_124 = arith.addf %get3A_123, %slice3A : vector<1x256xf32>
              %swap3A_125 = arith.constant 0 : index
              %swap3A_126 = arith.index_cast %mul3A_113 : i32 to index
              %swap3A_127 = vector.load %arg7[%swap3A_125, %swap3A_126] : memref<8x5120xf32, #tpu.memory_space<vmem>>, vector<1x256xf32>
              tpu.vector_store %arg7[%swap3A_125, %swap3A_126], %add3A_124 {strides = array<i32>} : memref<8x5120xf32, #tpu.memory_space<vmem>>, vector<1x256xf32>,
            }
          } else {
            %get3A_102 = arith.index_cast %mul3A_82 : i32 to index
            %get3A_103 = arith.constant 0 : index
            %get3A_104 = vector.load %arg2[%get3A_102, %get3A_103] : memref<5120x6xf32, #tpu.memory_space<vmem>>, vector<256x6xf32>
            %slice3A = vector.extract_strided_slice %get3A_104 {offsets = [0, 5], sizes = [256, 1], strides = [1, 1]} : vector<256x6xf32> to vector<256x1xf32>
            %mul3A_105 = vector.broadcast %add3A_27 : f32 to vector<256x1xf32>
            %mul3A_106 = arith.mulf %slice3A, %mul3A_105 : vector<256x1xf32>
            %slice3A_107 = vector.extract_strided_slice %get3A_104 {offsets = [0, 0], sizes = [256, 1], strides = [1, 1]} : vector<256x6xf32> to vector<256x1xf32>
            %add3A_108 = arith.addf %slice3A_107, %mul3A_106 : vector<256x1xf32>
            %broadcast_in_dim3A_109 = vector.shape_cast %add3A_108 : vector<256x1xf32> to vector<256x1xf32>
            %broadcast_in_dim3A_110 = vector.broadcast %broadcast_in_dim3A_109 : vector<256x1xf32> to vector<256x256xf32>
            %slice3A_111 = vector.extract_strided_slice %get3A_104 {offsets = [0, 1], sizes = [256, 1], strides = [1, 1]} : vector<256x6xf32> to vector<256x1xf32>
            %add3A_112 = arith.addf %slice3A_111, %mul3A_106 : vector<256x1xf32>
            %broadcast_in_dim3A_113 = vector.shape_cast %add3A_112 : vector<256x1xf32> to vector<256x1xf32>
            %broadcast_in_dim3A_114 = vector.broadcast %broadcast_in_dim3A_113 : vector<256x1xf32> to vector<256x256xf32>
            %slice3A_115 = vector.extract_strided_slice %get3A_104 {offsets = [0, 2], sizes = [256, 1], strides = [1, 1]} : vector<256x6xf32> to vector<256x1xf32>
            %add3A_116 = arith.addf %slice3A_115, %mul3A_106 : vector<256x1xf32>
            %broadcast_in_dim3A_117 = vector.shape_cast %add3A_116 : vector<256x1xf32> to vector<256x1xf32>
            %broadcast_in_dim3A_118 = vector.broadcast %broadcast_in_dim3A_117 : vector<256x1xf32> to vector<256x256xf32>
            %slice3A_119 = vector.extract_strided_slice %get3A_104 {offsets = [0, 3], sizes = [256, 1], strides = [1, 1]} : vector<256x6xf32> to vector<256x1xf32>
            %add3A_120 = arith.addf %slice3A_119, %mul3A_106 : vector<256x1xf32>
            %broadcast_in_dim3A_121 = vector.shape_cast %add3A_120 : vector<256x1xf32> to vector<256x1xf32>
            %broadcast_in_dim3A_122 = vector.broadcast %broadcast_in_dim3A_121 : vector<256x1xf32> to vector<256x256xf32>
            %sub3A_123 = arith.subf %broadcast_in_dim3A_118, %broadcast_in_dim3A_110 : vector<256x256xf32>
            %add3A_124 = arith.constant 1.000000e+00 : f32
            %add3A_125 = vector.broadcast %add3A_124 : f32 to vector<256x256xf32>
            %add3A_126 = arith.addf %sub3A_123, %add3A_125 : vector<256x256xf32>
            %sub3A_127 = arith.subf %broadcast_in_dim3A_122, %broadcast_in_dim3A_114 : vector<256x256xf32>
            %add3A_128 = arith.constant 1.000000e+00 : f32
            %add3A_129 = vector.broadcast %add3A_128 : f32 to vector<256x256xf32>
            %add3A_130 = arith.addf %sub3A_127, %add3A_129 : vector<256x256xf32>
            %mul3A_131 = arith.mulf %add3A_126, %add3A_130 : vector<256x256xf32>
            %while3A_132 = arith.constant 0 : i32
            %while3A_133 = arith.subi %get3A_86, %get3A_84 : i32
            %while3A_134 = arith.addi %get3A_84, %while3A_133 : i32
            %while3A_135 = arith.constant 1 : i32
            %while3A_136 = arith.divsi %while3A_133, %while3A_135 : i32
            %while3A_137 = arith.muli %while3A_136, %while3A_135 : i32
            %while3A_138 = arith.addi %get3A_84, %while3A_137 : i32
            %while3A_139 = arith.constant 1 : i32
            scf.for %while3A_141 = %get3A_84 to %while3A_138 step %while3A_139  : i32 {
              %mul3A_142 = arith.constant 256 : i32
              %mul3A_143 = arith.muli %while3A_141, %mul3A_142 : i32
              %sub3A_144 = arith.subi %while3A_141, %get3A_84 : i32
              %add3A_145 = arith.addi %get3A_88, %sub3A_144 : i32
              %eq3A = arith.constant 0 : i32
              %eq3A_146 = arith.cmpi eq, %while3A_38, %eq3A : i32
              %convert_element_type3A_147 = arith.extui %eq3A_146 : i1 to i32
              %cond3A_148 = arith.constant 0 : i32
              %cond3A_149 = arith.cmpi ne, %convert_element_type3A_147, %cond3A_148 : i32
              %cond3A_150 = scf.if %cond3A_149 -> (vector<256x256xf32>) {
                %get3A_160 = arith.constant 5 : index
                %get3A_161 = arith.index_cast %mul3A_143 : i32 to index
                %get3A_162 = vector.load %arg3[%get3A_160, %get3A_161] : memref<6x5120xf32, #tpu.memory_space<vmem>>, vector<1x256xf32>
                %mul3A_163 = vector.broadcast %add3A_27 : f32 to vector<1x256xf32>
                %mul3A_164 = arith.mulf %get3A_162, %mul3A_163 : vector<1x256xf32>
                %get3A_165 = arith.constant 0 : index
                %get3A_166 = arith.index_cast %mul3A_143 : i32 to index
                %get3A_167 = vector.load %arg3[%get3A_165, %get3A_166] : memref<6x5120xf32, #tpu.memory_space<vmem>>, vector<1x256xf32>
                %add3A_168 = arith.addf %get3A_167, %mul3A_164 : vector<1x256xf32>
                %get3A_169 = arith.constant 1 : index
                %get3A_170 = arith.index_cast %mul3A_143 : i32 to index
                %get3A_171 = vector.load %arg3[%get3A_169, %get3A_170] : memref<6x5120xf32, #tpu.memory_space<vmem>>, vector<1x256xf32>
                %add3A_172 = arith.addf %get3A_171, %mul3A_164 : vector<1x256xf32>
                %get3A_173 = arith.constant 2 : index
                %get3A_174 = arith.index_cast %mul3A_143 : i32 to index
                %get3A_175 = vector.load %arg3[%get3A_173, %get3A_174] : memref<6x5120xf32, #tpu.memory_space<vmem>>, vector<1x256xf32>
                %add3A_176 = arith.addf %get3A_175, %mul3A_164 : vector<1x256xf32>
                %get3A_177 = arith.constant 3 : index
                %get3A_178 = arith.index_cast %mul3A_143 : i32 to index
                %get3A_179 = vector.load %arg3[%get3A_177, %get3A_178] : memref<6x5120xf32, #tpu.memory_space<vmem>>, vector<1x256xf32>
                %add3A_180 = arith.addf %get3A_179, %mul3A_164 : vector<1x256xf32>
                %sub3A_181 = arith.subf %add3A_176, %add3A_168 : vector<1x256xf32>
                %add3A_182 = arith.constant 1.000000e+00 : f32
                %add3A_183 = vector.broadcast %add3A_182 : f32 to vector<1x256xf32>
                %add3A_184 = arith.addf %sub3A_181, %add3A_183 : vector<1x256xf32>
                %sub3A_185 = arith.subf %add3A_180, %add3A_172 : vector<1x256xf32>
                %add3A_186 = arith.constant 1.000000e+00 : f32
                %add3A_187 = vector.broadcast %add3A_186 : f32 to vector<1x256xf32>
                %add3A_188 = arith.addf %sub3A_185, %add3A_187 : vector<1x256xf32>
                %mul3A_189 = arith.mulf %add3A_184, %add3A_188 : vector<1x256xf32>
                %max3A = vector.broadcast %add3A_168 : vector<1x256xf32> to vector<256x256xf32>
                %max3A_190 = arith.maximumf %broadcast_in_dim3A_110, %max3A : vector<256x256xf32>
                %max3A_191 = vector.broadcast %add3A_172 : vector<1x256xf32> to vector<256x256xf32>
                %max3A_192 = arith.maximumf %broadcast_in_dim3A_114, %max3A_191 : vector<256x256xf32>
                %min3A = vector.broadcast %add3A_176 : vector<1x256xf32> to vector<256x256xf32>
                %min3A_193 = arith.minimumf %broadcast_in_dim3A_118, %min3A : vector<256x256xf32>
                %min3A_194 = vector.broadcast %add3A_180 : vector<1x256xf32> to vector<256x256xf32>
                %min3A_195 = arith.minimumf %broadcast_in_dim3A_122, %min3A_194 : vector<256x256xf32>
                %sub3A_196 = arith.subf %min3A_193, %max3A_190 : vector<256x256xf32>
                %max3A_197 = arith.constant 0.000000e+00 : f32
                %max3A_198 = vector.broadcast %max3A_197 : f32 to vector<256x256xf32>
                %max3A_199 = arith.maximumf %sub3A_196, %max3A_198 : vector<256x256xf32>
                %sub3A_200 = arith.subf %min3A_195, %max3A_192 : vector<256x256xf32>
                %max3A_201 = arith.constant 0.000000e+00 : f32
                %max3A_202 = vector.broadcast %max3A_201 : f32 to vector<256x256xf32>
                %max3A_203 = arith.maximumf %sub3A_200, %max3A_202 : vector<256x256xf32>
                %mul3A_204 = arith.mulf %max3A_199, %max3A_203 : vector<256x256xf32>
                %add3A_205 = vector.broadcast %mul3A_189 : vector<1x256xf32> to vector<256x256xf32>
                %add3A_206 = arith.addf %mul3A_131, %add3A_205 : vector<256x256xf32>
                %sub3A_207 = arith.subf %add3A_206, %mul3A_204 : vector<256x256xf32>
                %div3A = arith.divf %mul3A_204, %sub3A_207 : vector<256x256xf32>
                %ne3A_208 = arith.cmpi ne, %while3A_141, %scan3A_75 : i32
                %lt3A_209 = vector.broadcast %iota3A : vector<256x1xi32> to vector<256x256xi32>
                %lt3A_210 = vector.broadcast %iota3A_28 : vector<1x256xi32> to vector<256x256xi32>
                %lt3A_211 = arith.cmpi slt, %lt3A_209, %lt3A_210 : vector<256x256xi32>
                %or3A = vector.broadcast %ne3A_208 : i1 to vector<256x256xi1>
                %or3A_212 = arith.ori %or3A, %lt3A_211 : vector<256x256xi1>
                %gt3A_213 = arith.constant 5.000000e-01 : f32
                %gt3A_214 = vector.broadcast %gt3A_213 : f32 to vector<256x256xf32>
                %gt3A_215 = arith.cmpf ogt, %div3A, %gt3A_214 : vector<256x256xf32>
                %and3A_216 = arith.andi %gt3A_215, %or3A_212 : vector<256x256xi1>
                %convert_element_type3A_217 = arith.extui %and3A_216 : vector<256x256xi1> to vector<256x256xi32>
                %convert_element_type3A_218 = arith.sitofp %convert_element_type3A_217 : vector<256x256xi32> to vector<256x256xf32>
                %lt3A_219 = arith.constant 96 : i32
                %lt3A_220 = arith.cmpi slt, %add3A_145, %lt3A_219 : i32
                %convert_element_type3A_221 = arith.extui %lt3A_220 : i1 to i32
                %cond3A_222 = arith.constant 0 : i32
                %cond3A_223 = arith.cmpi ne, %convert_element_type3A_221, %cond3A_222 : i32
                scf.if %cond3A_223 {
                  %broadcast_in_dim3A_224 = vector.shape_cast %convert_element_type3A_218 : vector<256x256xf32> to vector<1x256x256xf32>
                  %swap3A_225 = arith.index_cast %add3A_145 : i32 to index
                  %swap3A_226 = arith.constant 0 : index
                  %swap3A_227 = arith.constant 0 : index
                  %swap3A_228 = vector.load %arg9[%swap3A_225, %swap3A_226, %swap3A_227] : memref<96x256x256xf32, #tpu.memory_space<vmem>>, vector<1x256x256xf32>
                  tpu.vector_store %arg9[%swap3A_225, %swap3A_226, %swap3A_227], %broadcast_in_dim3A_224 {strides = array<i32>} : memref<96x256x256xf32, #tpu.memory_space<vmem>>, vector<1x256x256xf32>,
                } else {
                }
                scf.yield %convert_element_type3A_218 : vector<256x256xf32>
              } else {
                %lt3A_160 = arith.constant 96 : i32
                %lt3A_161 = arith.cmpi slt, %add3A_145, %lt3A_160 : i32
                %convert_element_type3A_162 = arith.extui %lt3A_161 : i1 to i32
                %cond3A_163 = arith.constant 0 : i32
                %cond3A_164 = arith.cmpi ne, %convert_element_type3A_162, %cond3A_163 : i32
                %cond3A_165 = scf.if %cond3A_164 -> (vector<256x256xf32>) {
                  %get3A_166 = arith.index_cast %add3A_145 : i32 to index
                  %get3A_167 = arith.constant 0 : index
                  %get3A_168 = arith.constant 0 : index
                  %get3A_169 = vector.load %arg9[%get3A_166, %get3A_167, %get3A_168] : memref<96x256x256xf32, #tpu.memory_space<vmem>>, vector<1x256x256xf32>
                  %squeeze3A = vector.shape_cast %get3A_169 : vector<1x256x256xf32> to vector<256x256xf32>
                  scf.yield %squeeze3A : vector<256x256xf32>
                } else {
                  %get3A_166 = arith.constant 5 : index
                  %get3A_167 = arith.index_cast %mul3A_143 : i32 to index
                  %get3A_168 = vector.load %arg3[%get3A_166, %get3A_167] : memref<6x5120xf32, #tpu.memory_space<vmem>>, vector<1x256xf32>
                  %mul3A_169 = vector.broadcast %add3A_27 : f32 to vector<1x256xf32>
                  %mul3A_170 = arith.mulf %get3A_168, %mul3A_169 : vector<1x256xf32>
                  %get3A_171 = arith.constant 0 : index
                  %get3A_172 = arith.index_cast %mul3A_143 : i32 to index
                  %get3A_173 = vector.load %arg3[%get3A_171, %get3A_172] : memref<6x5120xf32, #tpu.memory_space<vmem>>, vector<1x256xf32>
                  %add3A_174 = arith.addf %get3A_173, %mul3A_170 : vector<1x256xf32>
                  %get3A_175 = arith.constant 1 : index
                  %get3A_176 = arith.index_cast %mul3A_143 : i32 to index
                  %get3A_177 = vector.load %arg3[%get3A_175, %get3A_176] : memref<6x5120xf32, #tpu.memory_space<vmem>>, vector<1x256xf32>
                  %add3A_178 = arith.addf %get3A_177, %mul3A_170 : vector<1x256xf32>
                  %get3A_179 = arith.constant 2 : index
                  %get3A_180 = arith.index_cast %mul3A_143 : i32 to index
                  %get3A_181 = vector.load %arg3[%get3A_179, %get3A_180] : memref<6x5120xf32, #tpu.memory_space<vmem>>, vector<1x256xf32>
                  %add3A_182 = arith.addf %get3A_181, %mul3A_170 : vector<1x256xf32>
                  %get3A_183 = arith.constant 3 : index
                  %get3A_184 = arith.index_cast %mul3A_143 : i32 to index
                  %get3A_185 = vector.load %arg3[%get3A_183, %get3A_184] : memref<6x5120xf32, #tpu.memory_space<vmem>>, vector<1x256xf32>
                  %add3A_186 = arith.addf %get3A_185, %mul3A_170 : vector<1x256xf32>
                  %sub3A_187 = arith.subf %add3A_182, %add3A_174 : vector<1x256xf32>
                  %add3A_188 = arith.constant 1.000000e+00 : f32
                  %add3A_189 = vector.broadcast %add3A_188 : f32 to vector<1x256xf32>
                  %add3A_190 = arith.addf %sub3A_187, %add3A_189 : vector<1x256xf32>
                  %sub3A_191 = arith.subf %add3A_186, %add3A_178 : vector<1x256xf32>
                  %add3A_192 = arith.constant 1.000000e+00 : f32
                  %add3A_193 = vector.broadcast %add3A_192 : f32 to vector<1x256xf32>
                  %add3A_194 = arith.addf %sub3A_191, %add3A_193 : vector<1x256xf32>
                  %mul3A_195 = arith.mulf %add3A_190, %add3A_194 : vector<1x256xf32>
                  %max3A = vector.broadcast %add3A_174 : vector<1x256xf32> to vector<256x256xf32>
                  %max3A_196 = arith.maximumf %broadcast_in_dim3A_110, %max3A : vector<256x256xf32>
                  %max3A_197 = vector.broadcast %add3A_178 : vector<1x256xf32> to vector<256x256xf32>
                  %max3A_198 = arith.maximumf %broadcast_in_dim3A_114, %max3A_197 : vector<256x256xf32>
                  %min3A = vector.broadcast %add3A_182 : vector<1x256xf32> to vector<256x256xf32>
                  %min3A_199 = arith.minimumf %broadcast_in_dim3A_118, %min3A : vector<256x256xf32>
                  %min3A_200 = vector.broadcast %add3A_186 : vector<1x256xf32> to vector<256x256xf32>
                  %min3A_201 = arith.minimumf %broadcast_in_dim3A_122, %min3A_200 : vector<256x256xf32>
                  %sub3A_202 = arith.subf %min3A_199, %max3A_196 : vector<256x256xf32>
                  %max3A_203 = arith.constant 0.000000e+00 : f32
                  %max3A_204 = vector.broadcast %max3A_203 : f32 to vector<256x256xf32>
                  %max3A_205 = arith.maximumf %sub3A_202, %max3A_204 : vector<256x256xf32>
                  %sub3A_206 = arith.subf %min3A_201, %max3A_198 : vector<256x256xf32>
                  %max3A_207 = arith.constant 0.000000e+00 : f32
                  %max3A_208 = vector.broadcast %max3A_207 : f32 to vector<256x256xf32>
                  %max3A_209 = arith.maximumf %sub3A_206, %max3A_208 : vector<256x256xf32>
                  %mul3A_210 = arith.mulf %max3A_205, %max3A_209 : vector<256x256xf32>
                  %add3A_211 = vector.broadcast %mul3A_195 : vector<1x256xf32> to vector<256x256xf32>
                  %add3A_212 = arith.addf %mul3A_131, %add3A_211 : vector<256x256xf32>
                  %sub3A_213 = arith.subf %add3A_212, %mul3A_210 : vector<256x256xf32>
                  %div3A = arith.divf %mul3A_210, %sub3A_213 : vector<256x256xf32>
                  %ne3A_214 = arith.cmpi ne, %while3A_141, %scan3A_75 : i32
                  %lt3A_215 = vector.broadcast %iota3A : vector<256x1xi32> to vector<256x256xi32>
                  %lt3A_216 = vector.broadcast %iota3A_28 : vector<1x256xi32> to vector<256x256xi32>
                  %lt3A_217 = arith.cmpi slt, %lt3A_215, %lt3A_216 : vector<256x256xi32>
                  %or3A = vector.broadcast %ne3A_214 : i1 to vector<256x256xi1>
                  %or3A_218 = arith.ori %or3A, %lt3A_217 : vector<256x256xi1>
                  %gt3A_219 = arith.constant 5.000000e-01 : f32
                  %gt3A_220 = vector.broadcast %gt3A_219 : f32 to vector<256x256xf32>
                  %gt3A_221 = arith.cmpf ogt, %div3A, %gt3A_220 : vector<256x256xf32>
                  %and3A_222 = arith.andi %gt3A_221, %or3A_218 : vector<256x256xi1>
                  %convert_element_type3A_223 = arith.extui %and3A_222 : vector<256x256xi1> to vector<256x256xi32>
                  %convert_element_type3A_224 = arith.sitofp %convert_element_type3A_223 : vector<256x256xi32> to vector<256x256xf32>
                  scf.yield %convert_element_type3A_224 : vector<256x256xf32>
                }
                scf.yield %cond3A_165 : vector<256x256xf32>
              }
              %dot_general3A = arith.constant dense<0.000000e+00> : vector<8x256xf32>
              %dot_general3A_151 = tpu.matmul %broadcast_in_dim3A_98, %cond3A_150, %dot_general3A {dimension_numbers = #tpu.dot_dimension_numbers<[1], [0], [0], [1], [0, 0, 1, 1], [], []>, transpose_lhs_hint = false} : vector<8x256xf32>, vector<256x256xf32>, vector<8x256xf32> -> vector<8x256xf32>
              %get3A_152 = arith.constant 0 : index
              %get3A_153 = arith.index_cast %mul3A_143 : i32 to index
              %get3A_154 = vector.load %arg7[%get3A_152, %get3A_153] : memref<8x5120xf32, #tpu.memory_space<vmem>>, vector<1x256xf32>
              %slice3A_155 = vector.extract_strided_slice %dot_general3A_151 {offsets = [0, 0], sizes = [1, 256], strides = [1, 1]} : vector<8x256xf32> to vector<1x256xf32>
              %add3A_156 = arith.addf %get3A_154, %slice3A_155 : vector<1x256xf32>
              %swap3A_157 = arith.constant 0 : index
              %swap3A_158 = arith.index_cast %mul3A_143 : i32 to index
              %swap3A_159 = vector.load %arg7[%swap3A_157, %swap3A_158] : memref<8x5120xf32, #tpu.memory_space<vmem>>, vector<1x256xf32>
              tpu.vector_store %arg7[%swap3A_157, %swap3A_158], %add3A_156 {strides = array<i32>} : memref<8x5120xf32, #tpu.memory_space<vmem>>, vector<1x256xf32>,
            }
            %while3A_140 = arith.constant 1 : i32
            scf.for %while3A_141 = %while3A_138 to %while3A_134 step %while3A_140  : i32 {
              %mul3A_142 = arith.constant 256 : i32
              %mul3A_143 = arith.muli %while3A_141, %mul3A_142 : i32
              %sub3A_144 = arith.subi %while3A_141, %get3A_84 : i32
              %add3A_145 = arith.addi %get3A_88, %sub3A_144 : i32
              %eq3A = arith.constant 0 : i32
              %eq3A_146 = arith.cmpi eq, %while3A_38, %eq3A : i32
              %convert_element_type3A_147 = arith.extui %eq3A_146 : i1 to i32
              %cond3A_148 = arith.constant 0 : i32
              %cond3A_149 = arith.cmpi ne, %convert_element_type3A_147, %cond3A_148 : i32
              %cond3A_150 = scf.if %cond3A_149 -> (vector<256x256xf32>) {
                %get3A_160 = arith.constant 5 : index
                %get3A_161 = arith.index_cast %mul3A_143 : i32 to index
                %get3A_162 = vector.load %arg3[%get3A_160, %get3A_161] : memref<6x5120xf32, #tpu.memory_space<vmem>>, vector<1x256xf32>
                %mul3A_163 = vector.broadcast %add3A_27 : f32 to vector<1x256xf32>
                %mul3A_164 = arith.mulf %get3A_162, %mul3A_163 : vector<1x256xf32>
                %get3A_165 = arith.constant 0 : index
                %get3A_166 = arith.index_cast %mul3A_143 : i32 to index
                %get3A_167 = vector.load %arg3[%get3A_165, %get3A_166] : memref<6x5120xf32, #tpu.memory_space<vmem>>, vector<1x256xf32>
                %add3A_168 = arith.addf %get3A_167, %mul3A_164 : vector<1x256xf32>
                %get3A_169 = arith.constant 1 : index
                %get3A_170 = arith.index_cast %mul3A_143 : i32 to index
                %get3A_171 = vector.load %arg3[%get3A_169, %get3A_170] : memref<6x5120xf32, #tpu.memory_space<vmem>>, vector<1x256xf32>
                %add3A_172 = arith.addf %get3A_171, %mul3A_164 : vector<1x256xf32>
                %get3A_173 = arith.constant 2 : index
                %get3A_174 = arith.index_cast %mul3A_143 : i32 to index
                %get3A_175 = vector.load %arg3[%get3A_173, %get3A_174] : memref<6x5120xf32, #tpu.memory_space<vmem>>, vector<1x256xf32>
                %add3A_176 = arith.addf %get3A_175, %mul3A_164 : vector<1x256xf32>
                %get3A_177 = arith.constant 3 : index
                %get3A_178 = arith.index_cast %mul3A_143 : i32 to index
                %get3A_179 = vector.load %arg3[%get3A_177, %get3A_178] : memref<6x5120xf32, #tpu.memory_space<vmem>>, vector<1x256xf32>
                %add3A_180 = arith.addf %get3A_179, %mul3A_164 : vector<1x256xf32>
                %sub3A_181 = arith.subf %add3A_176, %add3A_168 : vector<1x256xf32>
                %add3A_182 = arith.constant 1.000000e+00 : f32
                %add3A_183 = vector.broadcast %add3A_182 : f32 to vector<1x256xf32>
                %add3A_184 = arith.addf %sub3A_181, %add3A_183 : vector<1x256xf32>
                %sub3A_185 = arith.subf %add3A_180, %add3A_172 : vector<1x256xf32>
                %add3A_186 = arith.constant 1.000000e+00 : f32
                %add3A_187 = vector.broadcast %add3A_186 : f32 to vector<1x256xf32>
                %add3A_188 = arith.addf %sub3A_185, %add3A_187 : vector<1x256xf32>
                %mul3A_189 = arith.mulf %add3A_184, %add3A_188 : vector<1x256xf32>
                %max3A = vector.broadcast %add3A_168 : vector<1x256xf32> to vector<256x256xf32>
                %max3A_190 = arith.maximumf %broadcast_in_dim3A_110, %max3A : vector<256x256xf32>
                %max3A_191 = vector.broadcast %add3A_172 : vector<1x256xf32> to vector<256x256xf32>
                %max3A_192 = arith.maximumf %broadcast_in_dim3A_114, %max3A_191 : vector<256x256xf32>
                %min3A = vector.broadcast %add3A_176 : vector<1x256xf32> to vector<256x256xf32>
                %min3A_193 = arith.minimumf %broadcast_in_dim3A_118, %min3A : vector<256x256xf32>
                %min3A_194 = vector.broadcast %add3A_180 : vector<1x256xf32> to vector<256x256xf32>
                %min3A_195 = arith.minimumf %broadcast_in_dim3A_122, %min3A_194 : vector<256x256xf32>
                %sub3A_196 = arith.subf %min3A_193, %max3A_190 : vector<256x256xf32>
                %max3A_197 = arith.constant 0.000000e+00 : f32
                %max3A_198 = vector.broadcast %max3A_197 : f32 to vector<256x256xf32>
                %max3A_199 = arith.maximumf %sub3A_196, %max3A_198 : vector<256x256xf32>
                %sub3A_200 = arith.subf %min3A_195, %max3A_192 : vector<256x256xf32>
                %max3A_201 = arith.constant 0.000000e+00 : f32
                %max3A_202 = vector.broadcast %max3A_201 : f32 to vector<256x256xf32>
                %max3A_203 = arith.maximumf %sub3A_200, %max3A_202 : vector<256x256xf32>
                %mul3A_204 = arith.mulf %max3A_199, %max3A_203 : vector<256x256xf32>
                %add3A_205 = vector.broadcast %mul3A_189 : vector<1x256xf32> to vector<256x256xf32>
                %add3A_206 = arith.addf %mul3A_131, %add3A_205 : vector<256x256xf32>
                %sub3A_207 = arith.subf %add3A_206, %mul3A_204 : vector<256x256xf32>
                %div3A = arith.divf %mul3A_204, %sub3A_207 : vector<256x256xf32>
                %ne3A_208 = arith.cmpi ne, %while3A_141, %scan3A_75 : i32
                %lt3A_209 = vector.broadcast %iota3A : vector<256x1xi32> to vector<256x256xi32>
                %lt3A_210 = vector.broadcast %iota3A_28 : vector<1x256xi32> to vector<256x256xi32>
                %lt3A_211 = arith.cmpi slt, %lt3A_209, %lt3A_210 : vector<256x256xi32>
                %or3A = vector.broadcast %ne3A_208 : i1 to vector<256x256xi1>
                %or3A_212 = arith.ori %or3A, %lt3A_211 : vector<256x256xi1>
                %gt3A_213 = arith.constant 5.000000e-01 : f32
                %gt3A_214 = vector.broadcast %gt3A_213 : f32 to vector<256x256xf32>
                %gt3A_215 = arith.cmpf ogt, %div3A, %gt3A_214 : vector<256x256xf32>
                %and3A_216 = arith.andi %gt3A_215, %or3A_212 : vector<256x256xi1>
                %convert_element_type3A_217 = arith.extui %and3A_216 : vector<256x256xi1> to vector<256x256xi32>
                %convert_element_type3A_218 = arith.sitofp %convert_element_type3A_217 : vector<256x256xi32> to vector<256x256xf32>
                %lt3A_219 = arith.constant 96 : i32
                %lt3A_220 = arith.cmpi slt, %add3A_145, %lt3A_219 : i32
                %convert_element_type3A_221 = arith.extui %lt3A_220 : i1 to i32
                %cond3A_222 = arith.constant 0 : i32
                %cond3A_223 = arith.cmpi ne, %convert_element_type3A_221, %cond3A_222 : i32
                scf.if %cond3A_223 {
                  %broadcast_in_dim3A_224 = vector.shape_cast %convert_element_type3A_218 : vector<256x256xf32> to vector<1x256x256xf32>
                  %swap3A_225 = arith.index_cast %add3A_145 : i32 to index
                  %swap3A_226 = arith.constant 0 : index
                  %swap3A_227 = arith.constant 0 : index
                  %swap3A_228 = vector.load %arg9[%swap3A_225, %swap3A_226, %swap3A_227] : memref<96x256x256xf32, #tpu.memory_space<vmem>>, vector<1x256x256xf32>
                  tpu.vector_store %arg9[%swap3A_225, %swap3A_226, %swap3A_227], %broadcast_in_dim3A_224 {strides = array<i32>} : memref<96x256x256xf32, #tpu.memory_space<vmem>>, vector<1x256x256xf32>,
                } else {
                }
                scf.yield %convert_element_type3A_218 : vector<256x256xf32>
              } else {
                %lt3A_160 = arith.constant 96 : i32
                %lt3A_161 = arith.cmpi slt, %add3A_145, %lt3A_160 : i32
                %convert_element_type3A_162 = arith.extui %lt3A_161 : i1 to i32
                %cond3A_163 = arith.constant 0 : i32
                %cond3A_164 = arith.cmpi ne, %convert_element_type3A_162, %cond3A_163 : i32
                %cond3A_165 = scf.if %cond3A_164 -> (vector<256x256xf32>) {
                  %get3A_166 = arith.index_cast %add3A_145 : i32 to index
                  %get3A_167 = arith.constant 0 : index
                  %get3A_168 = arith.constant 0 : index
                  %get3A_169 = vector.load %arg9[%get3A_166, %get3A_167, %get3A_168] : memref<96x256x256xf32, #tpu.memory_space<vmem>>, vector<1x256x256xf32>
                  %squeeze3A = vector.shape_cast %get3A_169 : vector<1x256x256xf32> to vector<256x256xf32>
                  scf.yield %squeeze3A : vector<256x256xf32>
                } else {
                  %get3A_166 = arith.constant 5 : index
                  %get3A_167 = arith.index_cast %mul3A_143 : i32 to index
                  %get3A_168 = vector.load %arg3[%get3A_166, %get3A_167] : memref<6x5120xf32, #tpu.memory_space<vmem>>, vector<1x256xf32>
                  %mul3A_169 = vector.broadcast %add3A_27 : f32 to vector<1x256xf32>
                  %mul3A_170 = arith.mulf %get3A_168, %mul3A_169 : vector<1x256xf32>
                  %get3A_171 = arith.constant 0 : index
                  %get3A_172 = arith.index_cast %mul3A_143 : i32 to index
                  %get3A_173 = vector.load %arg3[%get3A_171, %get3A_172] : memref<6x5120xf32, #tpu.memory_space<vmem>>, vector<1x256xf32>
                  %add3A_174 = arith.addf %get3A_173, %mul3A_170 : vector<1x256xf32>
                  %get3A_175 = arith.constant 1 : index
                  %get3A_176 = arith.index_cast %mul3A_143 : i32 to index
                  %get3A_177 = vector.load %arg3[%get3A_175, %get3A_176] : memref<6x5120xf32, #tpu.memory_space<vmem>>, vector<1x256xf32>
                  %add3A_178 = arith.addf %get3A_177, %mul3A_170 : vector<1x256xf32>
                  %get3A_179 = arith.constant 2 : index
                  %get3A_180 = arith.index_cast %mul3A_143 : i32 to index
                  %get3A_181 = vector.load %arg3[%get3A_179, %get3A_180] : memref<6x5120xf32, #tpu.memory_space<vmem>>, vector<1x256xf32>
                  %add3A_182 = arith.addf %get3A_181, %mul3A_170 : vector<1x256xf32>
                  %get3A_183 = arith.constant 3 : index
                  %get3A_184 = arith.index_cast %mul3A_143 : i32 to index
                  %get3A_185 = vector.load %arg3[%get3A_183, %get3A_184] : memref<6x5120xf32, #tpu.memory_space<vmem>>, vector<1x256xf32>
                  %add3A_186 = arith.addf %get3A_185, %mul3A_170 : vector<1x256xf32>
                  %sub3A_187 = arith.subf %add3A_182, %add3A_174 : vector<1x256xf32>
                  %add3A_188 = arith.constant 1.000000e+00 : f32
                  %add3A_189 = vector.broadcast %add3A_188 : f32 to vector<1x256xf32>
                  %add3A_190 = arith.addf %sub3A_187, %add3A_189 : vector<1x256xf32>
                  %sub3A_191 = arith.subf %add3A_186, %add3A_178 : vector<1x256xf32>
                  %add3A_192 = arith.constant 1.000000e+00 : f32
                  %add3A_193 = vector.broadcast %add3A_192 : f32 to vector<1x256xf32>
                  %add3A_194 = arith.addf %sub3A_191, %add3A_193 : vector<1x256xf32>
                  %mul3A_195 = arith.mulf %add3A_190, %add3A_194 : vector<1x256xf32>
                  %max3A = vector.broadcast %add3A_174 : vector<1x256xf32> to vector<256x256xf32>
                  %max3A_196 = arith.maximumf %broadcast_in_dim3A_110, %max3A : vector<256x256xf32>
                  %max3A_197 = vector.broadcast %add3A_178 : vector<1x256xf32> to vector<256x256xf32>
                  %max3A_198 = arith.maximumf %broadcast_in_dim3A_114, %max3A_197 : vector<256x256xf32>
                  %min3A = vector.broadcast %add3A_182 : vector<1x256xf32> to vector<256x256xf32>
                  %min3A_199 = arith.minimumf %broadcast_in_dim3A_118, %min3A : vector<256x256xf32>
                  %min3A_200 = vector.broadcast %add3A_186 : vector<1x256xf32> to vector<256x256xf32>
                  %min3A_201 = arith.minimumf %broadcast_in_dim3A_122, %min3A_200 : vector<256x256xf32>
                  %sub3A_202 = arith.subf %min3A_199, %max3A_196 : vector<256x256xf32>
                  %max3A_203 = arith.constant 0.000000e+00 : f32
                  %max3A_204 = vector.broadcast %max3A_203 : f32 to vector<256x256xf32>
                  %max3A_205 = arith.maximumf %sub3A_202, %max3A_204 : vector<256x256xf32>
                  %sub3A_206 = arith.subf %min3A_201, %max3A_198 : vector<256x256xf32>
                  %max3A_207 = arith.constant 0.000000e+00 : f32
                  %max3A_208 = vector.broadcast %max3A_207 : f32 to vector<256x256xf32>
                  %max3A_209 = arith.maximumf %sub3A_206, %max3A_208 : vector<256x256xf32>
                  %mul3A_210 = arith.mulf %max3A_205, %max3A_209 : vector<256x256xf32>
                  %add3A_211 = vector.broadcast %mul3A_195 : vector<1x256xf32> to vector<256x256xf32>
                  %add3A_212 = arith.addf %mul3A_131, %add3A_211 : vector<256x256xf32>
                  %sub3A_213 = arith.subf %add3A_212, %mul3A_210 : vector<256x256xf32>
                  %div3A = arith.divf %mul3A_210, %sub3A_213 : vector<256x256xf32>
                  %ne3A_214 = arith.cmpi ne, %while3A_141, %scan3A_75 : i32
                  %lt3A_215 = vector.broadcast %iota3A : vector<256x1xi32> to vector<256x256xi32>
                  %lt3A_216 = vector.broadcast %iota3A_28 : vector<1x256xi32> to vector<256x256xi32>
                  %lt3A_217 = arith.cmpi slt, %lt3A_215, %lt3A_216 : vector<256x256xi32>
                  %or3A = vector.broadcast %ne3A_214 : i1 to vector<256x256xi1>
                  %or3A_218 = arith.ori %or3A, %lt3A_217 : vector<256x256xi1>
                  %gt3A_219 = arith.constant 5.000000e-01 : f32
                  %gt3A_220 = vector.broadcast %gt3A_219 : f32 to vector<256x256xf32>
                  %gt3A_221 = arith.cmpf ogt, %div3A, %gt3A_220 : vector<256x256xf32>
                  %and3A_222 = arith.andi %gt3A_221, %or3A_218 : vector<256x256xi1>
                  %convert_element_type3A_223 = arith.extui %and3A_222 : vector<256x256xi1> to vector<256x256xi32>
                  %convert_element_type3A_224 = arith.sitofp %convert_element_type3A_223 : vector<256x256xi32> to vector<256x256xf32>
                  scf.yield %convert_element_type3A_224 : vector<256x256xf32>
                }
                scf.yield %cond3A_165 : vector<256x256xf32>
              }
              %dot_general3A = arith.constant dense<0.000000e+00> : vector<8x256xf32>
              %dot_general3A_151 = tpu.matmul %broadcast_in_dim3A_98, %cond3A_150, %dot_general3A {dimension_numbers = #tpu.dot_dimension_numbers<[1], [0], [0], [1], [0, 0, 1, 1], [], []>, transpose_lhs_hint = false} : vector<8x256xf32>, vector<256x256xf32>, vector<8x256xf32> -> vector<8x256xf32>
              %get3A_152 = arith.constant 0 : index
              %get3A_153 = arith.index_cast %mul3A_143 : i32 to index
              %get3A_154 = vector.load %arg7[%get3A_152, %get3A_153] : memref<8x5120xf32, #tpu.memory_space<vmem>>, vector<1x256xf32>
              %slice3A_155 = vector.extract_strided_slice %dot_general3A_151 {offsets = [0, 0], sizes = [1, 256], strides = [1, 1]} : vector<8x256xf32> to vector<1x256xf32>
              %add3A_156 = arith.addf %get3A_154, %slice3A_155 : vector<1x256xf32>
              %swap3A_157 = arith.constant 0 : index
              %swap3A_158 = arith.index_cast %mul3A_143 : i32 to index
              %swap3A_159 = vector.load %arg7[%swap3A_157, %swap3A_158] : memref<8x5120xf32, #tpu.memory_space<vmem>>, vector<1x256xf32>
              tpu.vector_store %arg7[%swap3A_157, %swap3A_158], %add3A_156 {strides = array<i32>} : memref<8x5120xf32, #tpu.memory_space<vmem>>, vector<1x256xf32>,
            }
          }
        } else {
        }
      }
      %scan3A_44 = arith.constant 20 : i32
      %get3A_45 = arith.constant 0 : index
      %get3A_46 = arith.constant 0 : index
      %get3A_47 = vector.load %arg5[%get3A_45, %get3A_46] : memref<8x5120xf32, #tpu.memory_space<vmem>>, vector<1x5120xf32>
      %get3A_48 = arith.constant 0 : index
      %get3A_49 = arith.constant 0 : index
      %get3A_50 = vector.load %arg7[%get3A_48, %get3A_49] : memref<8x5120xf32, #tpu.memory_space<vmem>>, vector<1x5120xf32>
      %lt3A = arith.constant 5.000000e-01 : f32
      %lt3A_51 = vector.broadcast %lt3A : f32 to vector<1x5120xf32>
      %lt3A_52 = arith.cmpf olt, %get3A_50, %lt3A_51 : vector<1x5120xf32>
      %convert_element_type3A_53 = arith.extui %lt3A_52 : vector<1x5120xi1> to vector<1x5120xi32>
      %convert_element_type3A_54 = arith.sitofp %convert_element_type3A_53 : vector<1x5120xi32> to vector<1x5120xf32>
      %mul3A = arith.mulf %convert_element_type3A_4, %convert_element_type3A_54 : vector<1x5120xf32>
      %sub3A = arith.subf %mul3A, %get3A_47 : vector<1x5120xf32>
      %swap3A_55 = arith.constant 0 : index
      %swap3A_56 = arith.constant 0 : index
      %swap3A_57 = vector.load %arg5[%swap3A_55, %swap3A_56] : memref<8x5120xf32, #tpu.memory_space<vmem>>, vector<1x5120xf32>
      tpu.vector_store %arg5[%swap3A_55, %swap3A_56], %mul3A {strides = array<i32>} : memref<8x5120xf32, #tpu.memory_space<vmem>>, vector<1x5120xf32>,
      %swap3A_58 = arith.constant 0 : index
      %swap3A_59 = arith.constant 0 : index
      %swap3A_60 = vector.load %arg6[%swap3A_58, %swap3A_59] : memref<8x5120xf32, #tpu.memory_space<vmem>>, vector<1x5120xf32>
      tpu.vector_store %arg6[%swap3A_58, %swap3A_59], %sub3A {strides = array<i32>} : memref<8x5120xf32, #tpu.memory_space<vmem>>, vector<1x5120xf32>,
      %scan3A_61 = arith.constant 0 : i32
      %scan3A_62 = arith.constant 0 : i32
      %scan3A_63 = arith.constant 20 : i32
      %scan3A_64 = arith.addi %scan3A_62, %scan3A_63 : i32
      %scan3A_65 = arith.constant 1 : i32
      scf.for %scan3A_75 = %scan3A_62 to %scan3A_64 step %scan3A_65  : i32 {
        %mul3A_76 = arith.constant 256 : i32
        %mul3A_77 = arith.muli %scan3A_75, %mul3A_76 : i32
        %get3A_78 = arith.constant 0 : index
        %get3A_79 = arith.index_cast %mul3A_77 : i32 to index
        %get3A_80 = vector.load %arg6[%get3A_78, %get3A_79] : memref<8x5120xf32, #tpu.memory_space<vmem>>, vector<1x256xf32>
        %abs3A_81 = math.absf %get3A_80 : vector<1x256xf32>
        %reduce_max3A_82 = vector.shape_cast %abs3A_81 : vector<1x256xf32> to vector<1x1x256xf32>
        %reduce_max3A_83 = arith.constant dense<0xFF800000> : vector<1xf32>
        %reduce_max3A_84 = vector.multi_reduction <maximumf>, %reduce_max3A_82, %reduce_max3A_83 [1, 2] : vector<1x1x256xf32> to vector<1xf32>
        %reduce_max3A_85 = vector.shape_cast %reduce_max3A_84 : vector<1xf32> to vector<1x1x1xf32>
        %reduce_max3A_86 = vector.extract %reduce_max3A_85[0, 0, 0] : f32 from vector<1x1x1xf32>
        %swap3A_87 = arith.index_cast %scan3A_75 : i32 to index
        %swap3A_88 = memref.load %arg8[%swap3A_87] : memref<20xf32, #tpu.memory_space<smem>>
        memref.store %reduce_max3A_86, %arg8[%swap3A_87] : memref<20xf32, #tpu.memory_space<smem>>
      }
      %scan3A_66 = arith.constant 20 : i32
      %abs3A = math.absf %sub3A : vector<1x5120xf32>
      %reduce_max3A_67 = vector.shape_cast %abs3A : vector<1x5120xf32> to vector<1x1x5120xf32>
      %reduce_max3A_68 = arith.constant dense<0xFF800000> : vector<1xf32>
      %reduce_max3A_69 = vector.multi_reduction <maximumf>, %reduce_max3A_67, %reduce_max3A_68 [1, 2] : vector<1x1x5120xf32> to vector<1xf32>
      %reduce_max3A_70 = vector.shape_cast %reduce_max3A_69 : vector<1xf32> to vector<1x1x1xf32>
      %reduce_max3A_71 = vector.extract %reduce_max3A_70[0, 0, 0] : f32 from vector<1x1x1xf32>
      %gt3A = arith.constant 0.000000e+00 : f32
      %gt3A_72 = arith.cmpf ogt, %reduce_max3A_71, %gt3A : f32
      %add3A_73 = arith.constant 1 : i32
      %add3A_74 = arith.addi %while3A_38, %add3A_73 : i32
      scf.yield %gt3A_72, %add3A_74 : i1, i32
    }
    %get3A_31 = arith.constant 0 : index
    %get3A_32 = arith.constant 0 : index
    %get3A_33 = vector.load %arg5[%get3A_31, %get3A_32] : memref<8x5120xf32, #tpu.memory_space<vmem>>, vector<1x5120xf32>
    %swap3A_34 = arith.constant 0 : index
    %swap3A_35 = arith.constant 0 : index
    %swap3A_36 = vector.load %arg4[%swap3A_34, %swap3A_35] : memref<1x5120xf32, #tpu.memory_space<vmem>>, vector<1x5120xf32>
    tpu.vector_store %arg4[%swap3A_34, %swap3A_35], %get3A_33 {strides = array<i32>} : memref<1x5120xf32, #tpu.memory_space<vmem>>, vector<1x5120xf32>,
    return
  }
}

</mosaic_0001>

<sc_bundles>
// kernel: gather_offload_async_start
scs
__scs_entry_jumppad:
0x0: {  	(pc) =	sbr.rel $0x88, $3  }
0x1: {  	(tag) =	ssettag $0x0;
	lr =	simm.s32 $0x1  }
0x2: {  	[smem:$0x3F9E] =	sst lr;
	_ =	strace $0xD0000000  }
0x3: {  	_ = 	snop  }
0x4: {  	_ = 	snop  }
0x5: {  	_ = 	snop  }
0x6: {  	_ = 	snop  }
0x7: {  	_ = 	snop  }
__scs_overlays_trampoline_lowered:
0x8: {  	[smem:$0x3FAD] =	sst s0  }
0x9: {  	[smem:$0x3FAE] =	sst s1  }
0xa: {  	[smem:$0x3FAF] =	sst s2  }
0xb: {  	[smem:$0x3FB0] =	sst s3  }
0xc: {  	[smem:$0x3FB1] =	sst s4  }
0xd: {  	[smem:$0x3FB2] =	sst s5  }
0xe: {  	[smem:$0x3FB3] =	sst s6  }
0xf: {  	[smem:$0x3FB4] =	sst s7  }
0x10: {  	[smem:$0x3FB5] =	sst s8  }
0x11: {  	[smem:$0x3FB6] =	sst s9;
	s0 =	simm.s32 @!p0 $0x0  }
0x12: {  	s1 =	sld [smem:$0x3F9C];
	s0 =	simm.s32 @p0 $0x1  }
0x13: {  	[smem:$0x3FB7] =	sst s0;
	s0 =	simm.s32 @!p1 $0x0  }
0x14: {  	s2 =	sld [smem:$0x3F9B];
	s0 =	simm.s32 @p1 $0x1  }
0x15: {  	[smem:$0x3FB8] =	sst s0;
	s0 =	simm.s32 @!p2 $0x0  }
0x16: {  	s3 =	sld [smem:$0x3FDB];
	s0 =	simm.s32 @p2 $0x1  }
0x17: {  	s4 =	simm.s32 $0x1BF5;
	[smem:$0x3FBA] =	sst s0  }
0x18: {  	s0 =	sld [smem:$0x3F9D];
	_ =	swait.ge [sflag:s4], $0x0  }
0x19: {  	s7 =	sld [smem:$0x3F9E]  }
0x1a: {  	s8 =	sadd.s32 $0xFFFFE003, lr  }
0x1b: {  	s9 =	sadd.s32 $0xFFFFFEF7, lr;
	s5 =	simm.s32 $0xFFFFFFFF;
	p2 =	slt.u32 s8, $0xFFFFF086  }
0x1c: {  	p1 =	slt.u32 s9, $0xF7A;
	s5 =	simm.s32 @!p2 $0x0  }
0x1d: {  	s5 =	simm.s32 @p1 $0x1;
	p0 =	seq.s32 s7, s2  }
0x1e: {  	s7 =	smul.u32 @!p0 $0xF7A, s2;
	p2 =	seq.s32 @!p0 s5, $0x0  }
0x1f: {  	s9 =	smul.u32 $0xF7A, s1;
	s8 =	simm.s32 @!p0 $0x1BF5;
	p2 =	por !p2, p0  }
0x20: {  	[sflag:s8] =	ssyncset.s32 @!p0 $0xFFFFF086;
	s6 =	sadd.s32 @!p0 s3, s7;
	s7 =	simm.s32 @!p0 $0x108  }
0x21: {  	s3 =	sadd.s32 s3, s9;
	s6 =	sadd.s32 @!p0 $0x88, s6;
	s7 =	simm.s32 @p2 $0x1082  }
0x22: {  	[simem:s7], [sflag:s8] =	dma.local @!p0 [hbm:s6], $0xF7A  }
0x23: {  	s9 =	sor.u32 $0xD0000000, s2;
	s6 =	simm.s32 $0x108;
	_ =	swait.ge @!p0 [sflag:s8], $0x0  }
0x24: {  	s3 =	sadd.s32 $0x88, s3;
	s6 =	simm.s32 @!p1 $0x1082;
	[sflag:s4] =	ssyncset.s32 $0xFFFFF086  }
0x25: {  	[simem:s6], [sflag:s4] =	dma.local [hbm:s3], $0xF7A  }
0x26: {  	[smem:$0x3F9E] =	sst s1;
	(tag) =	ssettag s2;
	_ =	strace s9  }
0x27: {  	s1 =	sld [smem:$0x3FAE]  }
0x28: {  	s2 =	sld [smem:$0x3FAF]  }
0x29: {  	s4 =	sld [smem:$0x3FB1]  }
0x2a: {  	p0 =	seq.s32 s5, $0x0;
	s5 =	sld [smem:$0x3FB2]  }
0x2b: {  	s6 =	sld [smem:$0x3FB3]  }
0x2c: {  	s7 =	sld [smem:$0x3FB4]  }
0x2d: {  	s3 =	simm.s32 $0x108;
	s8 =	sld [smem:$0x3FB5]  }
0x2e: {  	s3 =	simm.s32 @!p0 $0x1082;
	s9 =	sld [smem:$0x3FB6]  }
0x2f: {  	lr =	sadd.s32 s0, s3;
	s0 =	sld [smem:$0x3FAD]  }
0x30: {  	s3 =	sld [smem:$0x3FB0]  }
0x31: {  	[smem:$0x3FB9] =	sst s10  }
0x32: {  	s10 =	sld [smem:$0x3FB7];
	_ =	sdelay $0x3  }
0x33: {  	p0 =	seq.s32 s10, $0x1;
	s10 =	sld [smem:$0x3FB9];
	_ =	sdelay $0x3  }
0x34: {  	[smem:$0x3FB9] =	sst s10  }
0x35: {  	s10 =	sld [smem:$0x3FB8];
	_ =	sdelay $0x3  }
0x36: {  	p1 =	seq.s32 s10, $0x1;
	s10 =	sld [smem:$0x3FB9];
	_ =	sdelay $0x3  }
0x37: {  	[smem:$0x3FB9] =	sst s10  }
0x38: {  	s10 =	sld [smem:$0x3FBA]  }
0x39: {  	_ = 	snop;
	(pc) =	sbr.ind lr, $3  }
0x3a: {  	_ = 	snop  }
0x3b: {  	_ = 	snop  }
0x3c: {  	p2 =	seq.s32 s10, $0x1;
	s10 =	sld [smem:$0x3FB9]  }
0x3d: {  	_ =	shalt  }
0x3e: {  	_ =	shalt  }
0x3f: {  	_ =	shalt  }
0x40: {  	_ =	shalt  }
0x41: {  	_ =	shalt  }
0x42: {  	_ =	shalt  }
0x43: {  	_ =	shalt  }
0x44: {  	_ =	shalt  }
0x45: {  	_ =	shalt  }
0x46: {  	_ =	shalt  }
0x47: {  	_ =	shalt  }
0x48: {  	_ =	shalt  }
0x49: {  	_ =	shalt  }
0x4a: {  	_ =	shalt  }
0x4b: {  	_ =	shalt  }
0x4c: {  	_ =	shalt  }
0x4d: {  	_ =	shalt  }
0x4e: {  	_ =	shalt  }
0x4f: {  	_ =	shalt  }
0x50: {  	_ =	shalt  }
0x51: {  	_ =	shalt  }
0x52: {  	_ =	shalt  }
0x53: {  	_ =	shalt  }
0x54: {  	_ =	shalt  }
0x55: {  	_ =	shalt  }
0x56: {  	_ =	shalt  }
0x57: {  	_ =	shalt  }
0x58: {  	_ =	shalt  }
0x59: {  	_ =	shalt  }
0x5a: {  	_ =	shalt  }
0x5b: {  	_ =	shalt  }
0x5c: {  	_ =	shalt  }
0x5d: {  	_ =	shalt  }
0x5e: {  	_ =	shalt  }
0x5f: {  	_ =	shalt  }
0x60: {  	_ =	shalt  }
0x61: {  	_ =	shalt  }
0x62: {  	_ =	shalt  }
0x63: {  	_ =	shalt  }
0x64: {  	_ =	shalt  }
0x65: {  	_ =	shalt  }
0x66: {  	_ =	shalt  }
0x67: {  	_ =	shalt  }
0x68: {  	_ =	shalt  }
0x69: {  	_ =	shalt  }
0x6a: {  	_ =	shalt  }
0x6b: {  	_ =	shalt  }
0x6c: {  	_ =	shalt  }
0x6d: {  	_ =	shalt  }
0x6e: {  	_ =	shalt  }
0x6f: {  	_ =	shalt  }
0x70: {  	_ =	shalt  }
0x71: {  	_ =	shalt  }
0x72: {  	_ =	shalt  }
0x73: {  	_ =	shalt  }
0x74: {  	_ =	shalt  }
0x75: {  	_ =	shalt  }
0x76: {  	_ =	shalt  }
0x77: {  	_ =	shalt  }
0x78: {  	_ =	shalt  }
0x79: {  	_ =	shalt  }
0x7a: {  	_ =	shalt  }
0x7b: {  	_ =	shalt  }
0x7c: {  	_ =	shalt  }
0x7d: {  	_ =	shalt  }
0x7e: {  	_ =	shalt  }
0x7f: {  	_ =	shalt  }
0x80: {  	_ =	shalt  }
0x81: {  	_ =	shalt  }
0x82: {  	_ =	shalt  }
0x83: {  	_ =	shalt  }
0x84: {  	_ =	shalt  }
0x85: {  	_ =	shalt  }
0x86: {  	_ =	shalt  }
0x87: {  	_ =	shalt  }
.Lfunc_end0:
.L_simem_size_0:
called_computation_lowered:
.L_overlay_start_0:
0x88: {  	s0 =	sld [smem:$0x3FD9]  }
0x89: {  	s1 =	sld [smem:$0x3FFE];
	_ =	sdelay $0x3  }
0x8a: {  	s0 =	sadd.s32 s1, s0  }
0x8b: {  	[smem:$0x3FC5] =	sst s0  }
0x8c: {  	_ = 	snop  }
0x8d: {  	s0 =	sld [smem:$0x3FD0];
	(tm) =	ssettm $0x1  }
0x8e: {  	s16 =	sld [smem:$0x3FFB];
	_ =	sdelay $0x3  }
0x8f: {  	_ =	strace s16  }
0x90: {  	s1 =	sld [smem:$0x3FFC];
	_ =	sdelay $0x3  }
0x91: {  	_ =	strace s1  }
0x92: {  	s1 =	sld [smem:$0x3FFD];
	_ =	sdelay $0x3  }
0x93: {  	_ =	strace s1  }
0x94: {  	_ =	strace $0x8FFFFFFF  }
0x95: {  	s17 =	sld [smem:$0x3FDB];
	_ =	sdelay $0x1  }
0x96: {  	s2 =	simm.s32 $_scs_section_size  }
0x97: {  	s3 =	simm.s32 $_size__tile_overlayer_lowered;
	s4 =	simm.s32 $_tile_overlayer_lowered  }
0x98: {  	s20 =	simm.s32 $0x1BFF;
	s19 =	sshll.u32 s4, $0x1;
	s1 =	sadd.s32 s2, s17  }
0x99: {  	s5 =	simm.s32 $0x0;
	s18 =	sshll.u32 s3, $0x1;
	s3 =	sadd.s32 s19, s1  }
0x9a: {  	[timem:s5], [sflag:s20] =	dma.local [hbm:s3], s18  }
0x9b: {  	_ =	swait.ge [sflag:s20], s18  }
0x9c: {  	s2 =	ssub.s32 $0x0, s18;
	[sflag:s20] =	ssyncset.done $0x0  }
0x9d: {  	[sflag:s20] =	ssyncadd.s32 s2;
	_ =	sdelay $0x1  }
0x9e: {  	s21 =	simm.s32 $0x1B8B  }
0x9f: {  	_ =	swait.ge [sflag:s21], $0x1  }
0xa0: {  	[sflag:s21] =	ssyncset.done $0x0  }
0xa1: {  	s23 =	simm.s32 $0x1B8E;
	s22 =	sld [smem:$0x3FFE];
	[sflag:s21] =	ssyncadd.s32 $0xFFFFFFFF  }
0xa2: {  	s24 =	simm.s32 $execute0_lowered;
	[smem:$0x3FD2] =	sst s23  }
0xa3: {  	s3 =	sshll.u32 s24, $0x1;
	_ =	strace $0x80000046;
	[dreg:$0x1] =	wrdreg $0xFFFFFFFF  }
0xa4: {  	s25 =	simm.s32 $_size_execute0_lowered;
	s1 =	sadd.s32 s1, s3;
	[dreg:$0x0] =	wrdreg $0x0  }
0xa5: {  	s3 =	sshll.u32 s25, $0x1;
	[dreg:$0x2] =	wrdreg s1  }
0xa6: {  	[dreg:$0x3] =	wrdreg s3  }
0xa7: {  	[dreg:$0x4] =	wrdreg $0xC0  }
0xa8: {  	_ =	task [dreg:s5], $0x5FFFF  }
0xa9: {  	[dreg:$0x1] =	wrdreg $0xFFFFFFFF  }
0xaa: {  	[dreg:$0x0] =	wrdreg $0x60  }
0xab: {  	[dreg:$0x2] =	wrdreg s22  }
0xac: {  	[dreg:$0x3] =	wrdreg s0  }
0xad: {  	[dreg:$0x4] =	wrdreg $0x9  }
0xae: {  	_ =	task.clear_ibuf [dreg:s5], $0x5FFFF;
	_ =	strace $0x90000046  }
0xaf: {  	s26 =	simm.s32 $0x9;
	_ =	strace $0x80000048  }
0xb0: {  	_ =	swait.ge [sflag:s26], $0x1  }
0xb1: {  	[sflag:s26] =	ssyncadd.s32 $0xFFFFFFFF  }
0xb2: {  	_ =	strace $0x90000048  }
0xb3: {  	_ =	sfence  }
0xb4: {  	s28 =	sld [smem:$0x0];
	_ =	sdelay $0x1  }
0xb5: {  	s29 =	srdreg.scid  }
0xb6: {  	s30 =	sshll.u32 s29, $0xD;
	s31 =	sshrl.u32 s29, $0x2  }
0xb7: {  	s2 =	sand.u32 $0x4000, s30;
	s1 =	sand.u32 $0x1, s29;
	s0 =	sadd.s32 s31, s28  }
0xb8: {  	s1 =	sor.u32 s2, s1;
	s0 =	sshll.u32 s0, $0x11  }
0xb9: {  	s0 =	sor.u32 s0, s1  }
0xba: {  	s0 =	sadd.s32 $0x8F2B, s0  }
0xbb: {  	[sflag:s0] =	ssyncadd.remote.s32 $0x1  }
0xbc: {  	_ =	sfence.sel $0xFFFF  }
0xbd: {  	[dreg:$0x0] =	wrdreg $0xFFFFFFFF;
	(pc) =	sbr.abs _section_cstart, $3  }
0xbe: {  	[dreg:$0x1] =	wrdreg $0xFFFFFFFF  }
0xbf: {  	_ =	task.clear_ibuf [dreg:s5], $0x2FFFF;
	_ =	strace $0x9FFFFFFF  }
0xc0: {  	(tm) =	ssettm $0x7FFFFFFF  }
0xc1: {  	_ =	shalt  }
tec
execute0_lowered:
.L_overlay_start_1:
0x0: {  	(tag) =	ssettag $0x1  }
0x1: {  	s0 =	stileid.u32  }
0x2: {  	s1 =	smin.u32 s0, $0x9  }
0x3: {  	s1 =	sadd.s32 s0, s1  }
0x4: {  	s2 =	simm.s32 $0x190;
	p0 =	slt.u32 s0, $0x9;
	s1 =	smul.u32 $0xC8, s1  }
0x5: {  	s2 =	simm.s32 @!p0 $0xC8  }
0x6: {  	s2 =	sadd.s32 s2, s1  }
0x7: {  	s3 =	smin.u32 s2, $0x1388  }
0x8: {  	s7 =	ssub.s32 s3, s1  }
0x9: {  	p0 =	sgt.s32 s7, $0x0  }
0xa: {  	s7 =	simm.s32 @!p0 $0x0  }
0xb: {  	s31 =	sand.u32 $0xFFF8, s7  }
0xc: {  	s2 =	sshrl.u32 s31, $0x3  }
0xd: {  	s4 =	rddreg [dreg:$0x0];
	s2 =	smul.u32 $0x147B, s2  }
0xe: {  	s5 =	rddreg [dreg:$0x1]  }
0xf: {  	s6 =	simm.s32 $0x1;
	s10 =	simm.s32 $0x3;
	s8 =	sshrl.u32 s2, $0x11  }
0x10: {  	s13 =	simm.s32 $0x0;
	s12 =	simm.s32 $0x0;
	s9 =	smul.u32 $0xC8, s8  }
.Ltmp0:
0x11: {  	s11 =	smov.u32 s1;
	s2 =	rddreg [dreg:$0x2];
	(pc) =	sbr.rel .LBB2_1-.Ltmp0, $4  }
0x12: {  	_ =	strace $0x80000047;
	p0 =	sne.s32 s7, s9;
	s9 =	simm.s32 $0x1  }
0x13: {  	[sflag:s6] =	ssyncpa.u1 $0x0;
	s7 =	simm.s32 $0x2;
	s9 =	simm.s32 @!p0 $0x0  }
0x14: {  	[sflag:s7] =	ssyncpa.u1 $0x0;
	p0 =	por $0x0, $0x0;
	s8 =	sadd.s32 s8, s9  }
0x15: {  	vm0 =	vmmov $0xff;
	vm1 =	vcmask $0x3F20;
	s9 =	sadd.s32 $0x13A00, s4;
	[sflag:s10] =	ssyncpa.u1 $0x0;
	s10 =	sadd.s32 $0x1, s8  }
.LBB2_6:
0x16: {  	[hbm:s17] =	stream.linear.scatter [tilespmem:s14], [sflag:$0x3], $0x400, $0x38;
	[tilespmem:$0xC990] =	vst v63  }
.LBB2_7:
0x17: {  	s13 =	sadd.s32 $0xC8, s11  }
0x18: {  	s15 =	smov.u32 s1;
	p2 =	slt.s32 s13, s3  }
0x19: {  	s15 =	smov.u32 @p2 s13;
	p2 =	sne.s32 s12, s10  }
.Ltmp1:
0x1a: {  	p1 =	slt.u32 s12, $0x2;
	(pc) =	sbr.rel @!p2 .LBB2_8-.Ltmp1, $4  }
0x1b: {  	s14 =	simm.s32 @!p1 $0x3  }
0x1c: {  	s16 =	sadd.s32 $0x1, s12;
	_ =	swait.ge @!p1 [sflag:s14], $0x6400  }
0x1d: {  	p0 =	por !p0, !p0;
	s13 =	smov.u32 s11;
	[sflag:s14] =	ssyncset.done @!p1 $0x0  }
0x1e: {  	s12 =	smov.u32 s16;
	s11 =	smov.u32 s15;
	[sflag:s14] =	ssyncadd.s32 @!p1 $0xFFFF9C00  }
.LBB2_1:
0x1f: {  	p1 =	sge.u32 s12, s8  }
0x20: {  	s14 =	sxor.u32 @!p1 $0xFFFFFFFF, s12  }
0x21: {  	s14 =	sand.u32 @!p1 $0x1, s14  }
0x22: {  	s14 =	smul.u32 @!p1 $0x320, s14  }
0x23: {  	s31 =	sadd.s32 $0xFFFFFFFF, s12;
	s15 =	sshrl.u32 @!p1 s11, $0x3  }
0x24: {  	s16 =	sand.u32 @!p1 $0x7, s11;
	s15 =	sadd.s32 @!p1 s5, s15;
	s14 =	sshrl.u32 @!p1 s14, $0x2  }
0x25: {  	[tilespmem:s14], [sflag:$0x2] =	stream.linear.gather @!p1 [hbm4b:s15+s16], $0xC8, $0x38;
	[tilespmem:$0xC990] =	vst v63  }
0x26: {  	p1 =	sge.u32 s31, s8  }
.Ltmp2:
0x27: {  	_ = 	snop;
	(pc) =	sbr.rel @p1 .LBB2_7-.Ltmp2, $1  }
0x28: {  	_ =	sdelay $0x3  }
0x29: {  	s14 =	simm.s32 $0x1  }
0x2a: {  	s14 =	simm.s32 @!p0 $0x0  }
0x2b: {  	s15 =	smul.u32 $0x320, s14  }
0x2c: {  	_ =	swait.ge [sflag:s7], $0xC8  }
0x2d: {  	[sflag:s7] =	ssyncset.done $0x0;
	s16 =	sshrl.u32 s15, $0x2  }
0x2e: {  	[sflag:s7] =	ssyncadd.s32 $0xFFFFFF38;
	s15 =	sadd.s32 $0x0, s16  }
0x2f: {  	v0 =	vld.msk [tilespmem:s15+$0x0 ss:$0x1], $0xffff;
	_ =	sdelay $0x4  }
0x30: {  	vm2 =	vgt.s32 v0, $0x0  }
0x31: {  	v0 =	vnsel vm2, $0x0, v0  }
0x32: {  	v0 =	vmin.u32 v0, $0x1387  }
0x33: {  	v0 =	vshll.u32 v0, $0x4  }
0x34: {  	s14 =	smul.u32 $0x19000, s14  }
0x35: {  	s31 =	sand.u32 $0x1, s12  }
0x36: {  	s17 =	smul.u32 $0x320, s31;
	s14 =	sshrl.u32 s14, $0x2  }
0x37: {  	s19 =	smul.u32 $0x19000, s31;
	s14 =	sor.u32 $0x190, s14  }
0x38: {  	[tilespmem:s14], [sflag:$0x1] =	stream.indirect_vreg.gather [hbm:s4], $0x80, v0, vm0, $0x38;
	[tilespmem:$0xC990] =	vst v63  }
0x39: {  	s18 =	sshrl.u32 s17, $0x2;
	s20 =	sadd.s32 $0x10, s16;
	s15 =	sadd.s32 $0x400, s14  }
0x3a: {  	[tilespmem:s15], [sflag:$0x1] =	stream.indirect_vreg.gather [hbm:s4], $0x80, v0, vm1, $0x38;
	[tilespmem:$0xC990] =	vst v63  }
0x3b: {  	s17 =	sshrl.u32 s19, $0x2;
	s19 =	smov.u32 s14;
	v0 =	vld.msk [tilespmem:s20+$0x0 ss:$0x1], $0xffff;
	s20 =	simm.s32 $0x80  }
.LBB2_3:
0x3c: {  	p1 =	sne.s32 s20, $0x2C0;
	_ =	sdelay $0x4  }
0x3d: {  	vm2 =	vgt.s32 v0, $0x0  }
0x3e: {  	v0 =	vnsel vm2, $0x0, v0  }
0x3f: {  	v0 =	vmin.u32 v0, $0x1387  }
0x40: {  	v0 =	vshll.u32 v0, $0x4;
	_ =	sdelay $0x3  }
.Ltmp3:
0x41: {  	s21 =	sshra.s32 s20, $0x2;
	s19 =	sadd.s32 $0x800, s19;
	(pc) =	sbr.rel @p1 .LBB2_3-.Ltmp3, $4  }
0x42: {  	[tilespmem:s19], [sflag:$0x1] =	stream.indirect_vreg.gather [hbm:s4], $0x80, v0, vm0, $0x38;
	[tilespmem:$0xC990] =	vst v63  }
0x43: {  	s21 =	sadd.s32 s21, s16;
	s22 =	sadd.s32 $0x400, s19  }
0x44: {  	[tilespmem:s22], [sflag:$0x1] =	stream.indirect_vreg.gather [hbm:s4], $0x80, v0, vm1, $0x38;
	[tilespmem:$0xC990] =	vst v63  }
0x45: {  	s20 =	sadd.s32 $0x40, s20;
	v0 =	vld.msk [tilespmem:s21+$0x0 ss:$0x1], $0xffff  }
0x46: {  	_ =	sdelay $0x3  }
0x47: {  	vm2 =	vgt.s32 v0, $0x0  }
0x48: {  	v0 =	vnsel vm2, $0x0, v0  }
0x49: {  	v0 =	vmin.u32 v0, $0x1387  }
0x4a: {  	v0 =	vshll.u32 v0, $0x4;
	_ =	sdelay $0x3  }
0x4b: {  	s16 =	sadd.s32 $0x800, s19  }
0x4c: {  	[tilespmem:s16], [sflag:$0x1] =	stream.indirect_vreg.gather [hbm:s4], $0x80, v0, vm0, $0x38;
	[tilespmem:$0xC990] =	vst v63  }
0x4d: {  	s16 =	sadd.s32 $0x400, s16  }
0x4e: {  	[tilespmem:s16], [sflag:$0x1] =	stream.indirect_vreg.gather [hbm:s4], $0x80, v0, vm1, $0x38;
	[tilespmem:$0xC990] =	vst v63  }
0x4f: {  	v0 =	vld.msk [tilespmem:s18+$0xC0 ss:$0x1], $0xff;
	_ =	sdelay $0x4  }
0x50: {  	vm2 =	vgt.s32 v0, $0x0  }
0x51: {  	v0 =	vnsel vm2, $0x0, v0  }
0x52: {  	v0 =	vmin.u32 v0, $0x1387  }
0x53: {  	v0 =	vshll.u32 v0, $0x4;
	_ =	sdelay $0x3  }
0x54: {  	s31 =	sadd.s32 $0x6190, s17  }
0x55: {  	[tilespmem:s31], [sflag:$0x1] =	stream.indirect_vreg.gather [hbm:s4], $0x80, v0, vm0, $0x38;
	[tilespmem:$0xC990] =	vst v63  }
0x56: {  	s13 =	sshll.u32 s13, $0x4;
	_ =	swait.ge [sflag:s6], $0x6400  }
0x57: {  	s13 =	sadd.s32 s13, s9;
	[sflag:s6] =	ssyncset.done $0x0  }
0x58: {  	s17 =	sadd.s32 $0x0, s13;
	s16 =	simm.s32 $0x80;
	[sflag:s6] =	ssyncadd.s32 $0xFFFF9C00  }
.LBB2_5:
0x59: {  	[hbm:s17] =	stream.linear.scatter [tilespmem:s14], [sflag:$0x3], $0x400, $0x38;
	[tilespmem:$0xC990] =	vst v63  }
0x5a: {  	s17 =	smov.u32 s16;
	s14 =	smov.u32 s15;
	p1 =	sne.s32 s16, $0xC00  }
.Ltmp4:
0x5b: {  	s16 =	sadd.s32 $0x80, s16;
	(pc) =	sbr.rel @p1 .LBB2_5-.Ltmp4, $2  }
0x5c: {  	_ =	sdelay $0x2  }
0x5d: {  	s15 =	sadd.s32 $0x400, s15;
	s17 =	sadd.s32 s17, s13  }
.Ltmp5:
0x5e: {  	_ = 	snop;
	(pc) =	sbr.rel .LBB2_6-.Ltmp5, $1  }
0x5f: {  	_ =	sdelay $0x3  }
.LBB2_8:
0x60: {  	_ =	sfence.sel $0x180000  }
0x61: {  	s1 =	simm.s32 $0x2;
	[bflag:$0x0] =	sbarrier.arrive $0xFFFF  }
0x62: {  	s30 =	simm.s32 $0x3;
	[sflag:s1] =	ssyncpa.u1 $0x1  }
0x63: {  	s31 =	simm.s32 $0x1;
	[sflag:s30] =	ssyncpa.u1 $0x1  }
0x64: {  	[sflag:s31] =	ssyncpa.u1 $0x1  }
0x65: {  	p0 =	sne.s32 s0, $0x0;
	_ =	strace $0x90000047  }
0x66: {  	s0 =	sadd.s32 @!p0 $0x100000, s2;
	[bflag:$0x2] =	sbarrier.arrive $0xFFFF  }
0x67: {  	[sflag:s0] =	ssyncadd.tile.s32 @!p0 $0x1;
	_ =	shalt  }
.Lfunc_end2:
_tile_overlayer_lowered:
.L_overlay_start_2:
0x68: {  	(tag) =	ssettag $0x2  }
0x69: {  	s0 =	rddreg [dreg:$0x0];
	s2 =	stileid.u32  }
0x6a: {  	s1 =	rddreg [dreg:$0x1];
	p0 =	sne.s32 s2, $0x0  }
0x6b: {  	s3 =	rddreg [dreg:$0x2];
	[bflag:$0x3] =	sbarrier.arrive $0xFFFF;
	s2 =	simm.s32 @!p0 $0x1C01  }
0x6c: {  	[timem:s3], [sflag:s2] =	dma.local @!p0 [hbm:s0], s1  }
0x6d: {  	s0 =	simm.s32 @!p0 $0x1  }
0x6e: {  	_ =	swait.ge @!p0 [sflag:s0], s1  }
0x6f: {  	s1 =	ssub.s32 @!p0 $0x0, s1;
	[sflag:s0] =	ssyncset.done @!p0 $0x0  }
0x70: {  	[sflag:s0] =	ssyncadd.s32 @!p0 s1  }
0x71: {  	[bflag:$0x3] =	sbarrier.arrive $0xFFFF  }
0x72: {  	_ =	shalt  }

</sc_bundles>
